<compile_context>
chip_gen: v7x
topology: tpu7x:2x2x1
jax: 0.10.2.dev20260603
libtpu: 0.0.44.dev20260713+nightly
codegen_flags: <defaults>
</compile_context>

<pallas_src>
import jax
import jax.numpy as jnp
from jax import lax
from jax.experimental import pallas as pl
from jax.experimental.pallas import tpu as pltpu
from jax.experimental.pallas import tpu_sc as plsc

VOCAB = 2048
DIM = 96
N_IDX = 16384
NC = 1
NS = 16
L = 16
NW = NC * NS
IDX_CHUNK = 128
CHUNKS = N_IDX // NW // IDX_CHUNK
PER_W = IDX_CHUNK * CHUNKS
V_PER_T = VOCAB // NS
V_VECS = V_PER_T // L
D_VECS = DIM // L

def _body(table_hbm, idx_hbm, out_hbm,
          tabrows_v, idx_v, ones_v, hist_v, counts_v, idx96_v,
          acc_v, partials_v,
          hist_sh, partials_sh, tab_sem, idx_sem):
    s = lax.axis_index("s")
    w = s

    tab_cp = pltpu.async_copy(
        table_hbm.at[pl.ds(s * V_PER_T, V_PER_T)], tabrows_v, tab_sem)

    idx_cps = [pltpu.async_copy(idx_hbm.at[w], idx_v, idx_sem)]

    for i in range(IDX_CHUNK // L):
        ones_v[pl.ds(i * L, L)] = jnp.ones((L,), jnp.float32)
    for i in range(V_PER_T // L):
        hist_v[pl.ds(i * L, L)] = jnp.zeros((L,), jnp.float32)
    iot = lax.iota(jnp.int32, L)
    for d in range(D_VECS):
        idx96_v[pl.ds(d * L, L)] = iot + (d * L)
    pltpu.sync_copy(hist_v, hist_sh.at[pl.ds(s * V_PER_T, V_PER_T)])

    @pl.when(s == 0)
    def _():
        pltpu.sync_copy(hist_v.at[pl.ds(0, DIM)], partials_sh)

    plsc.subcore_barrier()
    for cp in idx_cps:
        cp.wait()

    sc_cps = [
        pltpu.async_copy(ones_v, hist_sh.at[idx_v.at[j]], idx_sem, add=True)
        for j in range(CHUNKS)
    ]
    for cp in sc_cps:
        cp.wait()

    plsc.subcore_barrier()
    pltpu.sync_copy(hist_sh.at[pl.ds(s * V_PER_T, V_PER_T)], counts_v)

    tab_cp.wait()

    def fma_group(g, acc):
        cvec = counts_v[pl.ds(g * L, L)]
        for k in range(L):
            cb = lax.gather(
                cvec, jnp.full((L, 1), k, jnp.int32),
                dimension_numbers=lax.GatherDimensionNumbers(
                    offset_dims=(), collapsed_slice_dims=(0,),
                    start_index_map=(0,)),
                slice_sizes=(1,),
                mode=lax.GatherScatterMode.PROMISE_IN_BOUNDS)
            acc = tuple(acc[d] + cb * tabrows_v[g * L + k, pl.ds(d * L, L)]
                        for d in range(D_VECS))
        return acc

    acc = lax.fori_loop(0, V_VECS, fma_group,
                        (jnp.zeros((L,), jnp.float32),) * D_VECS)
    for d in range(D_VECS):
        acc_v[pl.ds(d * L, L)] = acc[d]
    pltpu.sync_copy(acc_v, partials_sh.at[idx96_v], add=True)
    plsc.subcore_barrier()

    @pl.when(s == 0)
    def _():
        pltpu.sync_copy(partials_sh, partials_v)
        for d in range(D_VECS):
            acc_v[pl.ds(d * L, L)] = (
                partials_v[pl.ds(d * L, L)] * (1.0 / N_IDX))
        pltpu.sync_copy(acc_v, out_hbm)


@jax.jit
def _run(table, idx):
    mesh = plsc.VectorSubcoreMesh(
        core_axis_name="c", subcore_axis_name="s", num_cores=NC)
    f = pl.kernel(
        _body,
        out_type=jax.ShapeDtypeStruct((DIM,), jnp.float32),
        mesh=mesh,
        compiler_params=pltpu.CompilerParams(
            use_tc_tiling_on_sc=False, skip_device_barrier=True),
        scratch_types=[
            pltpu.VMEM((V_PER_T, DIM), jnp.float32),
            pltpu.VMEM((CHUNKS, IDX_CHUNK), jnp.int32),
            pltpu.VMEM((IDX_CHUNK,), jnp.float32),
            pltpu.VMEM((V_PER_T,), jnp.float32),
            pltpu.VMEM((V_PER_T,), jnp.float32),
            pltpu.VMEM((DIM,), jnp.int32),
            pltpu.VMEM((DIM,), jnp.float32),
            pltpu.VMEM((DIM,), jnp.float32),
            pltpu.VMEM_SHARED((VOCAB,), jnp.float32),
            pltpu.VMEM_SHARED((DIM,), jnp.float32),
            pltpu.SemaphoreType.DMA,
            pltpu.SemaphoreType.DMA,
        ],
    )
    return f(table, idx.reshape(NW, CHUNKS, IDX_CHUNK))


def kernel(node_table, node_indices):
    return _run(node_table, node_indices.astype(jnp.int32))

# --- scband reference (transcript-rebuilt; emitter-appended) ---
"""Pipeline reference for scband-symbol-embedding-bank-70703751627519 (READ-ONLY COPY).

The authoritative reference and input builder live on the scoring server;
editing this copy changes nothing except your own understanding.
"""

import jax, jax.numpy as jnp
import numpy as np

NODE_VOCAB = 2048
NODE_DIM = 96

def setup_inputs(seed: int = 0) -> dict:
    key = jax.random.key(seed)
    k_idx, k_tab = jax.random.split(key)
    node_indices = jax.random.randint(k_idx, (16384,), 0, NODE_VOCAB, dtype=jnp.int64 if jax.config.jax_enable_x64 else jnp.int32)
    # xavier_uniform for Embedding weight [vocab, dim]: bound = sqrt(6/(fan_in+fan_out))
    bound = float(np.sqrt(6.0 / (NODE_VOCAB + NODE_DIM)))
    node_table = jax.random.uniform(k_tab, (NODE_VOCAB, NODE_DIM), dtype=jnp.float32, minval=-bound, maxval=bound)
    return {"node_table": node_table, "node_indices": node_indices}

def reference(node_table, node_indices):
    # SymbolEmbeddingBank.embed_nodes: gather embeddings for hashed node ids, mean over nodes
    gathered = jnp.take(node_table, node_indices, axis=0)  # [N, 96]
    return gathered.mean(axis=0)  # [96]

if __name__ == "__main__":
    import jax
    _d = setup_inputs()
    print(jax.jit(kernel)(*tuple(_d.values())))

</pallas_src>

<mosaic_0001>
#map = affine_map<(d0, d1) -> (0, 0)>
#map1 = affine_map<(d0, d1) -> (0, 0, 0)>
#map2 = affine_map<(d0, d1) -> (0)>
module attributes {stable_mosaic.version = 14 : i64} {
  func.func @_body(%arg0: i32, %arg1: i32, %arg2: memref<2048x96xf32, #tpu.memory_space<hbm>>, %arg3: memref<16x8x128xi32, #tpu.memory_space<hbm>>, %arg4: memref<96xf32, #tpu.memory_space<hbm>>, %arg5: memref<128x96xf32, #tpu.memory_space<vmem>>, %arg6: memref<8x128xi32, #tpu.memory_space<vmem>>, %arg7: memref<128xf32, #tpu.memory_space<vmem>>, %arg8: memref<128xf32, #tpu.memory_space<vmem>>, %arg9: memref<128xf32, #tpu.memory_space<vmem>>, %arg10: memref<96xi32, #tpu.memory_space<vmem>>, %arg11: memref<96xf32, #tpu.memory_space<vmem>>, %arg12: memref<96xf32, #tpu.memory_space<vmem>>, %arg13: memref<2048xf32, #tpu.memory_space<vmem_shared>>, %arg14: memref<96xf32, #tpu.memory_space<vmem_shared>>, %arg15: memref<!tpu.dma_semaphore, #tpu.memory_space<semaphore_mem>>, %arg16: memref<!tpu.dma_semaphore, #tpu.memory_space<semaphore_mem>>) attributes {dimension_semantics = [#tpu.dimension_semantics<core_parallel>, #tpu.dimension_semantics<subcore_parallel>], iteration_bounds = array<i64: 1, 16>, scalar_prefetch = 0 : i64, scratch_operands = 12 : i64, tpu.core_type = #tpu.core_type<sc_vector_subcore>, window_params = [{transform_indices = #map}, {transform_indices = #map1}, {transform_indices = #map2}]} {
    %mul3A = arith.constant 128 : i32
    %mul3A_0 = arith.muli %arg1, %mul3A : i32
    %dma_start3A = arith.constant 0 : i32
    %dma_start3A_1 = tpu.memref_slice %arg2[%mul3A_0, %dma_start3A] : memref<2048x96xf32, #tpu.memory_space<hbm>> -> memref<128x96xf32, #tpu.memory_space<hbm>>
    %dma_start3A_2 = arith.constant 0 : i32
    %dma_start3A_3 = tpu.memref_slice %arg2[%mul3A_0, %dma_start3A_2] : memref<2048x96xf32, #tpu.memory_space<hbm>> -> memref<128x96xf32, #tpu.memory_space<hbm>>
    tpu.enqueue_dma source(%dma_start3A_3 : memref<128x96xf32, #tpu.memory_space<hbm>>) target(%arg5 : memref<128x96xf32, #tpu.memory_space<vmem>>) target_semaphore(%arg15 : memref<!tpu.dma_semaphore, #tpu.memory_space<semaphore_mem>>)
    %dma_start3A_4 = arith.constant 0 : i32
    %dma_start3A_5 = arith.constant 0 : i32
    %dma_start3A_6 = tpu.memref_slice %arg3[%arg1, %dma_start3A_4, %dma_start3A_5] : memref<16x8x128xi32, #tpu.memory_space<hbm>> -> memref<1x8x128xi32, #tpu.memory_space<hbm>>
    %dma_start3A_7 = tpu.memref_squeeze %dma_start3A_6 : memref<1x8x128xi32, #tpu.memory_space<hbm>> -> memref<8x128xi32, #tpu.memory_space<hbm>>
    %dma_start3A_8 = arith.constant 0 : i32
    %dma_start3A_9 = arith.constant 0 : i32
    %dma_start3A_10 = tpu.memref_slice %arg3[%arg1, %dma_start3A_8, %dma_start3A_9] : memref<16x8x128xi32, #tpu.memory_space<hbm>> -> memref<1x8x128xi32, #tpu.memory_space<hbm>>
    %dma_start3A_11 = tpu.memref_squeeze %dma_start3A_10 : memref<1x8x128xi32, #tpu.memory_space<hbm>> -> memref<8x128xi32, #tpu.memory_space<hbm>>
    tpu.enqueue_dma source(%dma_start3A_11 : memref<8x128xi32, #tpu.memory_space<hbm>>) target(%arg6 : memref<8x128xi32, #tpu.memory_space<vmem>>) target_semaphore(%arg16 : memref<!tpu.dma_semaphore, #tpu.memory_space<semaphore_mem>>)
    %broadcast_in_dim3A = arith.constant 1.000000e+00 : f32
    %broadcast_in_dim3A_12 = vector.broadcast %broadcast_in_dim3A : f32 to vector<16xf32>
    %swap3A = arith.constant 0 : index
    %swap3A_13 = tpu.vector_load %arg7[%swap3A] {strides = array<i32>} : memref<128xf32, #tpu.memory_space<vmem>>, vector<16xf32>,
    %swap3A_14 = vector.shape_cast %swap3A_13 : vector<16xf32> to vector<16xf32>
    %swap3A_15 = vector.shape_cast %broadcast_in_dim3A_12 : vector<16xf32> to vector<16xf32>
    tpu.vector_store %arg7[%swap3A], %swap3A_15 {strides = array<i32>} : memref<128xf32, #tpu.memory_space<vmem>>, vector<16xf32>,
    %broadcast_in_dim3A_16 = arith.constant 1.000000e+00 : f32
    %broadcast_in_dim3A_17 = vector.broadcast %broadcast_in_dim3A_16 : f32 to vector<16xf32>
    %swap3A_18 = arith.constant 16 : index
    %swap3A_19 = tpu.vector_load %arg7[%swap3A_18] {strides = array<i32>} : memref<128xf32, #tpu.memory_space<vmem>>, vector<16xf32>,
    %swap3A_20 = vector.shape_cast %swap3A_19 : vector<16xf32> to vector<16xf32>
    %swap3A_21 = vector.shape_cast %broadcast_in_dim3A_17 : vector<16xf32> to vector<16xf32>
    tpu.vector_store %arg7[%swap3A_18], %swap3A_21 {strides = array<i32>} : memref<128xf32, #tpu.memory_space<vmem>>, vector<16xf32>,
    %broadcast_in_dim3A_22 = arith.constant 1.000000e+00 : f32
    %broadcast_in_dim3A_23 = vector.broadcast %broadcast_in_dim3A_22 : f32 to vector<16xf32>
    %swap3A_24 = arith.constant 32 : index
    %swap3A_25 = tpu.vector_load %arg7[%swap3A_24] {strides = array<i32>} : memref<128xf32, #tpu.memory_space<vmem>>, vector<16xf32>,
    %swap3A_26 = vector.shape_cast %swap3A_25 : vector<16xf32> to vector<16xf32>
    %swap3A_27 = vector.shape_cast %broadcast_in_dim3A_23 : vector<16xf32> to vector<16xf32>
    tpu.vector_store %arg7[%swap3A_24], %swap3A_27 {strides = array<i32>} : memref<128xf32, #tpu.memory_space<vmem>>, vector<16xf32>,
    %broadcast_in_dim3A_28 = arith.constant 1.000000e+00 : f32
    %broadcast_in_dim3A_29 = vector.broadcast %broadcast_in_dim3A_28 : f32 to vector<16xf32>
    %swap3A_30 = arith.constant 48 : index
    %swap3A_31 = tpu.vector_load %arg7[%swap3A_30] {strides = array<i32>} : memref<128xf32, #tpu.memory_space<vmem>>, vector<16xf32>,
    %swap3A_32 = vector.shape_cast %swap3A_31 : vector<16xf32> to vector<16xf32>
    %swap3A_33 = vector.shape_cast %broadcast_in_dim3A_29 : vector<16xf32> to vector<16xf32>
    tpu.vector_store %arg7[%swap3A_30], %swap3A_33 {strides = array<i32>} : memref<128xf32, #tpu.memory_space<vmem>>, vector<16xf32>,
    %broadcast_in_dim3A_34 = arith.constant 1.000000e+00 : f32
    %broadcast_in_dim3A_35 = vector.broadcast %broadcast_in_dim3A_34 : f32 to vector<16xf32>
    %swap3A_36 = arith.constant 64 : index
    %swap3A_37 = tpu.vector_load %arg7[%swap3A_36] {strides = array<i32>} : memref<128xf32, #tpu.memory_space<vmem>>, vector<16xf32>,
    %swap3A_38 = vector.shape_cast %swap3A_37 : vector<16xf32> to vector<16xf32>
    %swap3A_39 = vector.shape_cast %broadcast_in_dim3A_35 : vector<16xf32> to vector<16xf32>
    tpu.vector_store %arg7[%swap3A_36], %swap3A_39 {strides = array<i32>} : memref<128xf32, #tpu.memory_space<vmem>>, vector<16xf32>,
    %broadcast_in_dim3A_40 = arith.constant 1.000000e+00 : f32
    %broadcast_in_dim3A_41 = vector.broadcast %broadcast_in_dim3A_40 : f32 to vector<16xf32>
    %swap3A_42 = arith.constant 80 : index
    %swap3A_43 = tpu.vector_load %arg7[%swap3A_42] {strides = array<i32>} : memref<128xf32, #tpu.memory_space<vmem>>, vector<16xf32>,
    %swap3A_44 = vector.shape_cast %swap3A_43 : vector<16xf32> to vector<16xf32>
    %swap3A_45 = vector.shape_cast %broadcast_in_dim3A_41 : vector<16xf32> to vector<16xf32>
    tpu.vector_store %arg7[%swap3A_42], %swap3A_45 {strides = array<i32>} : memref<128xf32, #tpu.memory_space<vmem>>, vector<16xf32>,
    %broadcast_in_dim3A_46 = arith.constant 1.000000e+00 : f32
    %broadcast_in_dim3A_47 = vector.broadcast %broadcast_in_dim3A_46 : f32 to vector<16xf32>
    %swap3A_48 = arith.constant 96 : index
    %swap3A_49 = tpu.vector_load %arg7[%swap3A_48] {strides = array<i32>} : memref<128xf32, #tpu.memory_space<vmem>>, vector<16xf32>,
    %swap3A_50 = vector.shape_cast %swap3A_49 : vector<16xf32> to vector<16xf32>
    %swap3A_51 = vector.shape_cast %broadcast_in_dim3A_47 : vector<16xf32> to vector<16xf32>
    tpu.vector_store %arg7[%swap3A_48], %swap3A_51 {strides = array<i32>} : memref<128xf32, #tpu.memory_space<vmem>>, vector<16xf32>,
    %broadcast_in_dim3A_52 = arith.constant 1.000000e+00 : f32
    %broadcast_in_dim3A_53 = vector.broadcast %broadcast_in_dim3A_52 : f32 to vector<16xf32>
    %swap3A_54 = arith.constant 112 : index
    %swap3A_55 = tpu.vector_load %arg7[%swap3A_54] {strides = array<i32>} : memref<128xf32, #tpu.memory_space<vmem>>, vector<16xf32>,
    %swap3A_56 = vector.shape_cast %swap3A_55 : vector<16xf32> to vector<16xf32>
    %swap3A_57 = vector.shape_cast %broadcast_in_dim3A_53 : vector<16xf32> to vector<16xf32>
    tpu.vector_store %arg7[%swap3A_54], %swap3A_57 {strides = array<i32>} : memref<128xf32, #tpu.memory_space<vmem>>, vector<16xf32>,
    %broadcast_in_dim3A_58 = arith.constant 0.000000e+00 : f32
    %broadcast_in_dim3A_59 = vector.broadcast %broadcast_in_dim3A_58 : f32 to vector<16xf32>
    %swap3A_60 = arith.constant 0 : index
    %swap3A_61 = tpu.vector_load %arg8[%swap3A_60] {strides = array<i32>} : memref<128xf32, #tpu.memory_space<vmem>>, vector<16xf32>,
    %swap3A_62 = vector.shape_cast %swap3A_61 : vector<16xf32> to vector<16xf32>
    %swap3A_63 = vector.shape_cast %broadcast_in_dim3A_59 : vector<16xf32> to vector<16xf32>
    tpu.vector_store %arg8[%swap3A_60], %swap3A_63 {strides = array<i32>} : memref<128xf32, #tpu.memory_space<vmem>>, vector<16xf32>,
    %broadcast_in_dim3A_64 = arith.constant 0.000000e+00 : f32
    %broadcast_in_dim3A_65 = vector.broadcast %broadcast_in_dim3A_64 : f32 to vector<16xf32>
    %swap3A_66 = arith.constant 16 : index
    %swap3A_67 = tpu.vector_load %arg8[%swap3A_66] {strides = array<i32>} : memref<128xf32, #tpu.memory_space<vmem>>, vector<16xf32>,
    %swap3A_68 = vector.shape_cast %swap3A_67 : vector<16xf32> to vector<16xf32>
    %swap3A_69 = vector.shape_cast %broadcast_in_dim3A_65 : vector<16xf32> to vector<16xf32>
    tpu.vector_store %arg8[%swap3A_66], %swap3A_69 {strides = array<i32>} : memref<128xf32, #tpu.memory_space<vmem>>, vector<16xf32>,
    %broadcast_in_dim3A_70 = arith.constant 0.000000e+00 : f32
    %broadcast_in_dim3A_71 = vector.broadcast %broadcast_in_dim3A_70 : f32 to vector<16xf32>
    %swap3A_72 = arith.constant 32 : index
    %swap3A_73 = tpu.vector_load %arg8[%swap3A_72] {strides = array<i32>} : memref<128xf32, #tpu.memory_space<vmem>>, vector<16xf32>,
    %swap3A_74 = vector.shape_cast %swap3A_73 : vector<16xf32> to vector<16xf32>
    %swap3A_75 = vector.shape_cast %broadcast_in_dim3A_71 : vector<16xf32> to vector<16xf32>
    tpu.vector_store %arg8[%swap3A_72], %swap3A_75 {strides = array<i32>} : memref<128xf32, #tpu.memory_space<vmem>>, vector<16xf32>,
    %broadcast_in_dim3A_76 = arith.constant 0.000000e+00 : f32
    %broadcast_in_dim3A_77 = vector.broadcast %broadcast_in_dim3A_76 : f32 to vector<16xf32>
    %swap3A_78 = arith.constant 48 : index
    %swap3A_79 = tpu.vector_load %arg8[%swap3A_78] {strides = array<i32>} : memref<128xf32, #tpu.memory_space<vmem>>, vector<16xf32>,
    %swap3A_80 = vector.shape_cast %swap3A_79 : vector<16xf32> to vector<16xf32>
    %swap3A_81 = vector.shape_cast %broadcast_in_dim3A_77 : vector<16xf32> to vector<16xf32>
    tpu.vector_store %arg8[%swap3A_78], %swap3A_81 {strides = array<i32>} : memref<128xf32, #tpu.memory_space<vmem>>, vector<16xf32>,
    %broadcast_in_dim3A_82 = arith.constant 0.000000e+00 : f32
    %broadcast_in_dim3A_83 = vector.broadcast %broadcast_in_dim3A_82 : f32 to vector<16xf32>
    %swap3A_84 = arith.constant 64 : index
    %swap3A_85 = tpu.vector_load %arg8[%swap3A_84] {strides = array<i32>} : memref<128xf32, #tpu.memory_space<vmem>>, vector<16xf32>,
    %swap3A_86 = vector.shape_cast %swap3A_85 : vector<16xf32> to vector<16xf32>
    %swap3A_87 = vector.shape_cast %broadcast_in_dim3A_83 : vector<16xf32> to vector<16xf32>
    tpu.vector_store %arg8[%swap3A_84], %swap3A_87 {strides = array<i32>} : memref<128xf32, #tpu.memory_space<vmem>>, vector<16xf32>,
    %broadcast_in_dim3A_88 = arith.constant 0.000000e+00 : f32
    %broadcast_in_dim3A_89 = vector.broadcast %broadcast_in_dim3A_88 : f32 to vector<16xf32>
    %swap3A_90 = arith.constant 80 : index
    %swap3A_91 = tpu.vector_load %arg8[%swap3A_90] {strides = array<i32>} : memref<128xf32, #tpu.memory_space<vmem>>, vector<16xf32>,
    %swap3A_92 = vector.shape_cast %swap3A_91 : vector<16xf32> to vector<16xf32>
    %swap3A_93 = vector.shape_cast %broadcast_in_dim3A_89 : vector<16xf32> to vector<16xf32>
    tpu.vector_store %arg8[%swap3A_90], %swap3A_93 {strides = array<i32>} : memref<128xf32, #tpu.memory_space<vmem>>, vector<16xf32>,
    %broadcast_in_dim3A_94 = arith.constant 0.000000e+00 : f32
    %broadcast_in_dim3A_95 = vector.broadcast %broadcast_in_dim3A_94 : f32 to vector<16xf32>
    %swap3A_96 = arith.constant 96 : index
    %swap3A_97 = tpu.vector_load %arg8[%swap3A_96] {strides = array<i32>} : memref<128xf32, #tpu.memory_space<vmem>>, vector<16xf32>,
    %swap3A_98 = vector.shape_cast %swap3A_97 : vector<16xf32> to vector<16xf32>
    %swap3A_99 = vector.shape_cast %broadcast_in_dim3A_95 : vector<16xf32> to vector<16xf32>
    tpu.vector_store %arg8[%swap3A_96], %swap3A_99 {strides = array<i32>} : memref<128xf32, #tpu.memory_space<vmem>>, vector<16xf32>,
    %broadcast_in_dim3A_100 = arith.constant 0.000000e+00 : f32
    %broadcast_in_dim3A_101 = vector.broadcast %broadcast_in_dim3A_100 : f32 to vector<16xf32>
    %swap3A_102 = arith.constant 112 : index
    %swap3A_103 = tpu.vector_load %arg8[%swap3A_102] {strides = array<i32>} : memref<128xf32, #tpu.memory_space<vmem>>, vector<16xf32>,
    %swap3A_104 = vector.shape_cast %swap3A_103 : vector<16xf32> to vector<16xf32>
    %swap3A_105 = vector.shape_cast %broadcast_in_dim3A_101 : vector<16xf32> to vector<16xf32>
    tpu.vector_store %arg8[%swap3A_102], %swap3A_105 {strides = array<i32>} : memref<128xf32, #tpu.memory_space<vmem>>, vector<16xf32>,
    %iota3A = tpu.iota {dimensions = array<i32: 0>} : vector<16xi32>
    %add3A = arith.constant 0 : i32
    %add3A_106 = vector.broadcast %add3A : i32 to vector<16xi32>
    %add3A_107 = arith.addi %iota3A, %add3A_106 : vector<16xi32>
    %swap3A_108 = arith.constant 0 : index
    %swap3A_109 = tpu.vector_load %arg10[%swap3A_108] {strides = array<i32>} : memref<96xi32, #tpu.memory_space<vmem>>, vector<16xi32>,
    %swap3A_110 = vector.shape_cast %swap3A_109 : vector<16xi32> to vector<16xi32>
    %swap3A_111 = vector.shape_cast %add3A_107 : vector<16xi32> to vector<16xi32>
    tpu.vector_store %arg10[%swap3A_108], %swap3A_111 {strides = array<i32>} : memref<96xi32, #tpu.memory_space<vmem>>, vector<16xi32>,
    %add3A_112 = arith.constant 16 : i32
    %add3A_113 = vector.broadcast %add3A_112 : i32 to vector<16xi32>
    %add3A_114 = arith.addi %iota3A, %add3A_113 : vector<16xi32>
    %swap3A_115 = arith.constant 16 : index
    %swap3A_116 = tpu.vector_load %arg10[%swap3A_115] {strides = array<i32>} : memref<96xi32, #tpu.memory_space<vmem>>, vector<16xi32>,
    %swap3A_117 = vector.shape_cast %swap3A_116 : vector<16xi32> to vector<16xi32>
    %swap3A_118 = vector.shape_cast %add3A_114 : vector<16xi32> to vector<16xi32>
    tpu.vector_store %arg10[%swap3A_115], %swap3A_118 {strides = array<i32>} : memref<96xi32, #tpu.memory_space<vmem>>, vector<16xi32>,
    %add3A_119 = arith.constant 32 : i32
    %add3A_120 = vector.broadcast %add3A_119 : i32 to vector<16xi32>
    %add3A_121 = arith.addi %iota3A, %add3A_120 : vector<16xi32>
    %swap3A_122 = arith.constant 32 : index
    %swap3A_123 = tpu.vector_load %arg10[%swap3A_122] {strides = array<i32>} : memref<96xi32, #tpu.memory_space<vmem>>, vector<16xi32>,
    %swap3A_124 = vector.shape_cast %swap3A_123 : vector<16xi32> to vector<16xi32>
    %swap3A_125 = vector.shape_cast %add3A_121 : vector<16xi32> to vector<16xi32>
    tpu.vector_store %arg10[%swap3A_122], %swap3A_125 {strides = array<i32>} : memref<96xi32, #tpu.memory_space<vmem>>, vector<16xi32>,
    %add3A_126 = arith.constant 48 : i32
    %add3A_127 = vector.broadcast %add3A_126 : i32 to vector<16xi32>
    %add3A_128 = arith.addi %iota3A, %add3A_127 : vector<16xi32>
    %swap3A_129 = arith.constant 48 : index
    %swap3A_130 = tpu.vector_load %arg10[%swap3A_129] {strides = array<i32>} : memref<96xi32, #tpu.memory_space<vmem>>, vector<16xi32>,
    %swap3A_131 = vector.shape_cast %swap3A_130 : vector<16xi32> to vector<16xi32>
    %swap3A_132 = vector.shape_cast %add3A_128 : vector<16xi32> to vector<16xi32>
    tpu.vector_store %arg10[%swap3A_129], %swap3A_132 {strides = array<i32>} : memref<96xi32, #tpu.memory_space<vmem>>, vector<16xi32>,
    %add3A_133 = arith.constant 64 : i32
    %add3A_134 = vector.broadcast %add3A_133 : i32 to vector<16xi32>
    %add3A_135 = arith.addi %iota3A, %add3A_134 : vector<16xi32>
    %swap3A_136 = arith.constant 64 : index
    %swap3A_137 = tpu.vector_load %arg10[%swap3A_136] {strides = array<i32>} : memref<96xi32, #tpu.memory_space<vmem>>, vector<16xi32>,
    %swap3A_138 = vector.shape_cast %swap3A_137 : vector<16xi32> to vector<16xi32>
    %swap3A_139 = vector.shape_cast %add3A_135 : vector<16xi32> to vector<16xi32>
    tpu.vector_store %arg10[%swap3A_136], %swap3A_139 {strides = array<i32>} : memref<96xi32, #tpu.memory_space<vmem>>, vector<16xi32>,
    %add3A_140 = arith.constant 80 : i32
    %add3A_141 = vector.broadcast %add3A_140 : i32 to vector<16xi32>
    %add3A_142 = arith.addi %iota3A, %add3A_141 : vector<16xi32>
    %swap3A_143 = arith.constant 80 : index
    %swap3A_144 = tpu.vector_load %arg10[%swap3A_143] {strides = array<i32>} : memref<96xi32, #tpu.memory_space<vmem>>, vector<16xi32>,
    %swap3A_145 = vector.shape_cast %swap3A_144 : vector<16xi32> to vector<16xi32>
    %swap3A_146 = vector.shape_cast %add3A_142 : vector<16xi32> to vector<16xi32>
    tpu.vector_store %arg10[%swap3A_143], %swap3A_146 {strides = array<i32>} : memref<96xi32, #tpu.memory_space<vmem>>, vector<16xi32>,
    %mul3A_147 = arith.constant 128 : i32
    %mul3A_148 = arith.muli %arg1, %mul3A_147 : i32
    "tpu.region"() ({
      %run_scoped3A = tpu.sem_alloc : memref<!tpu.dma_semaphore, #tpu.memory_space<semaphore_mem>>
      %dma_start3A_298 = tpu.memref_slice %arg13[%mul3A_148] : memref<2048xf32, #tpu.memory_space<vmem_shared>> -> memref<128xf32, #tpu.memory_space<vmem_shared>>
      %dma_start3A_299 = tpu.memref_slice %arg13[%mul3A_148] : memref<2048xf32, #tpu.memory_space<vmem_shared>> -> memref<128xf32, #tpu.memory_space<vmem_shared>>
      tpu.enqueue_dma source(%arg8 : memref<128xf32, #tpu.memory_space<vmem>>) target(%dma_start3A_299 : memref<128xf32, #tpu.memory_space<vmem_shared>>) target_semaphore(%run_scoped3A : memref<!tpu.dma_semaphore, #tpu.memory_space<semaphore_mem>>)
      %dma_wait3A_300 = tpu.memref_slice %arg13[%mul3A_148] : memref<2048xf32, #tpu.memory_space<vmem_shared>> -> memref<128xf32, #tpu.memory_space<vmem_shared>>
      %dma_wait3A_301 = tpu.memref_slice %arg13[%mul3A_148] : memref<2048xf32, #tpu.memory_space<vmem_shared>> -> memref<128xf32, #tpu.memory_space<vmem_shared>>
      tpu.wait_dma2 semaphore(%run_scoped3A : memref<!tpu.dma_semaphore, #tpu.memory_space<semaphore_mem>>) src(%arg8 : memref<128xf32, #tpu.memory_space<vmem>>) dst(%dma_wait3A_301 : memref<128xf32, #tpu.memory_space<vmem_shared>>)
      tpu.yield
    }) : () -> ()
    %eq3A = arith.constant 0 : i32
    %eq3A_149 = arith.cmpi eq, %arg1, %eq3A : i32
    %convert_element_type3A = arith.extui %eq3A_149 : i1 to i32
    %cond3A = arith.constant 0 : i32
    %cond3A_150 = arith.cmpi ne, %convert_element_type3A, %cond3A : i32
    scf.if %cond3A_150 {
      "tpu.region"() ({
        %run_scoped3A = tpu.sem_alloc : memref<!tpu.dma_semaphore, #tpu.memory_space<semaphore_mem>>
        %dma_start3A_298 = arith.constant 0 : i32
        %dma_start3A_299 = tpu.memref_slice %arg8[%dma_start3A_298] : memref<128xf32, #tpu.memory_space<vmem>> -> memref<96xf32, #tpu.memory_space<vmem>>
        %dma_start3A_300 = arith.constant 0 : i32
        %dma_start3A_301 = tpu.memref_slice %arg8[%dma_start3A_300] : memref<128xf32, #tpu.memory_space<vmem>> -> memref<96xf32, #tpu.memory_space<vmem>>
        tpu.enqueue_dma source(%dma_start3A_301 : memref<96xf32, #tpu.memory_space<vmem>>) target(%arg14 : memref<96xf32, #tpu.memory_space<vmem_shared>>) target_semaphore(%run_scoped3A : memref<!tpu.dma_semaphore, #tpu.memory_space<semaphore_mem>>)
        %dma_wait3A_302 = arith.constant 0 : i32
        %dma_wait3A_303 = tpu.memref_slice %arg8[%dma_wait3A_302] : memref<128xf32, #tpu.memory_space<vmem>> -> memref<96xf32, #tpu.memory_space<vmem>>
        %dma_wait3A_304 = arith.constant 0 : i32
        %dma_wait3A_305 = tpu.memref_slice %arg8[%dma_wait3A_304] : memref<128xf32, #tpu.memory_space<vmem>> -> memref<96xf32, #tpu.memory_space<vmem>>
        tpu.wait_dma2 semaphore(%run_scoped3A : memref<!tpu.dma_semaphore, #tpu.memory_space<semaphore_mem>>) src(%dma_wait3A_305 : memref<96xf32, #tpu.memory_space<vmem>>) dst(%arg14 : memref<96xf32, #tpu.memory_space<vmem_shared>>)
        tpu.yield
      }) : () -> ()
    } else {
    }
    %barrier3A = arith.constant 0 : index
    tpu.barrier barrier_id(%barrier3A)
    %dma_wait3A = arith.constant 0 : i32
    %dma_wait3A_151 = arith.constant 0 : i32
    %dma_wait3A_152 = tpu.memref_slice %arg3[%arg1, %dma_wait3A, %dma_wait3A_151] : memref<16x8x128xi32, #tpu.memory_space<hbm>> -> memref<1x8x128xi32, #tpu.memory_space<hbm>>
    %dma_wait3A_153 = tpu.memref_squeeze %dma_wait3A_152 : memref<1x8x128xi32, #tpu.memory_space<hbm>> -> memref<8x128xi32, #tpu.memory_space<hbm>>
    %dma_wait3A_154 = arith.constant 0 : i32
    %dma_wait3A_155 = arith.constant 0 : i32
    %dma_wait3A_156 = tpu.memref_slice %arg3[%arg1, %dma_wait3A_154, %dma_wait3A_155] : memref<16x8x128xi32, #tpu.memory_space<hbm>> -> memref<1x8x128xi32, #tpu.memory_space<hbm>>
    %dma_wait3A_157 = tpu.memref_squeeze %dma_wait3A_156 : memref<1x8x128xi32, #tpu.memory_space<hbm>> -> memref<8x128xi32, #tpu.memory_space<hbm>>
    tpu.wait_dma2 semaphore(%arg16 : memref<!tpu.dma_semaphore, #tpu.memory_space<semaphore_mem>>) src(%dma_wait3A_157 : memref<8x128xi32, #tpu.memory_space<hbm>>) dst(%arg6 : memref<8x128xi32, #tpu.memory_space<vmem>>)
    %dma_start3A_158 = arith.constant 0 : i32
    %dma_start3A_159 = arith.constant 0 : i32
    %dma_start3A_160 = tpu.memref_slice %arg6[%dma_start3A_158, %dma_start3A_159] : memref<8x128xi32, #tpu.memory_space<vmem>> -> memref<1x128xi32, #tpu.memory_space<vmem>>
    %dma_start3A_161 = tpu.memref_squeeze %dma_start3A_160 : memref<1x128xi32, #tpu.memory_space<vmem>> -> memref<128xi32, #tpu.memory_space<vmem>>
    %dma_start3A_162 = arith.constant 0 : i32
    %dma_start3A_163 = tpu.memref_slice %arg13[%dma_start3A_162] : memref<2048xf32, #tpu.memory_space<vmem_shared>> -> memref<2048xf32, #tpu.memory_space<vmem_shared>>
    tpu.enqueue_indirect_dma source(%arg7 : memref<128xf32, #tpu.memory_space<vmem>>) target(%dma_start3A_163 : memref<2048xf32, #tpu.memory_space<vmem_shared>>) offsets(%dma_start3A_161 : memref<128xi32, #tpu.memory_space<vmem>>) semaphore(%arg16 : memref<!tpu.dma_semaphore, #tpu.memory_space<semaphore_mem>>) {add = true}
    %dma_start3A_164 = arith.constant 1 : i32
    %dma_start3A_165 = arith.constant 0 : i32
    %dma_start3A_166 = tpu.memref_slice %arg6[%dma_start3A_164, %dma_start3A_165] : memref<8x128xi32, #tpu.memory_space<vmem>> -> memref<1x128xi32, #tpu.memory_space<vmem>>
    %dma_start3A_167 = tpu.memref_squeeze %dma_start3A_166 : memref<1x128xi32, #tpu.memory_space<vmem>> -> memref<128xi32, #tpu.memory_space<vmem>>
    %dma_start3A_168 = arith.constant 0 : i32
    %dma_start3A_169 = tpu.memref_slice %arg13[%dma_start3A_168] : memref<2048xf32, #tpu.memory_space<vmem_shared>> -> memref<2048xf32, #tpu.memory_space<vmem_shared>>
    tpu.enqueue_indirect_dma source(%arg7 : memref<128xf32, #tpu.memory_space<vmem>>) target(%dma_start3A_169 : memref<2048xf32, #tpu.memory_space<vmem_shared>>) offsets(%dma_start3A_167 : memref<128xi32, #tpu.memory_space<vmem>>) semaphore(%arg16 : memref<!tpu.dma_semaphore, #tpu.memory_space<semaphore_mem>>) {add = true}
    %dma_start3A_170 = arith.constant 2 : i32
    %dma_start3A_171 = arith.constant 0 : i32
    %dma_start3A_172 = tpu.memref_slice %arg6[%dma_start3A_170, %dma_start3A_171] : memref<8x128xi32, #tpu.memory_space<vmem>> -> memref<1x128xi32, #tpu.memory_space<vmem>>
    %dma_start3A_173 = tpu.memref_squeeze %dma_start3A_172 : memref<1x128xi32, #tpu.memory_space<vmem>> -> memref<128xi32, #tpu.memory_space<vmem>>
    %dma_start3A_174 = arith.constant 0 : i32
    %dma_start3A_175 = tpu.memref_slice %arg13[%dma_start3A_174] : memref<2048xf32, #tpu.memory_space<vmem_shared>> -> memref<2048xf32, #tpu.memory_space<vmem_shared>>
    tpu.enqueue_indirect_dma source(%arg7 : memref<128xf32, #tpu.memory_space<vmem>>) target(%dma_start3A_175 : memref<2048xf32, #tpu.memory_space<vmem_shared>>) offsets(%dma_start3A_173 : memref<128xi32, #tpu.memory_space<vmem>>) semaphore(%arg16 : memref<!tpu.dma_semaphore, #tpu.memory_space<semaphore_mem>>) {add = true}
    %dma_start3A_176 = arith.constant 3 : i32
    %dma_start3A_177 = arith.constant 0 : i32
    %dma_start3A_178 = tpu.memref_slice %arg6[%dma_start3A_176, %dma_start3A_177] : memref<8x128xi32, #tpu.memory_space<vmem>> -> memref<1x128xi32, #tpu.memory_space<vmem>>
    %dma_start3A_179 = tpu.memref_squeeze %dma_start3A_178 : memref<1x128xi32, #tpu.memory_space<vmem>> -> memref<128xi32, #tpu.memory_space<vmem>>
    %dma_start3A_180 = arith.constant 0 : i32
    %dma_start3A_181 = tpu.memref_slice %arg13[%dma_start3A_180] : memref<2048xf32, #tpu.memory_space<vmem_shared>> -> memref<2048xf32, #tpu.memory_space<vmem_shared>>
    tpu.enqueue_indirect_dma source(%arg7 : memref<128xf32, #tpu.memory_space<vmem>>) target(%dma_start3A_181 : memref<2048xf32, #tpu.memory_space<vmem_shared>>) offsets(%dma_start3A_179 : memref<128xi32, #tpu.memory_space<vmem>>) semaphore(%arg16 : memref<!tpu.dma_semaphore, #tpu.memory_space<semaphore_mem>>) {add = true}
    %dma_start3A_182 = arith.constant 4 : i32
    %dma_start3A_183 = arith.constant 0 : i32
    %dma_start3A_184 = tpu.memref_slice %arg6[%dma_start3A_182, %dma_start3A_183] : memref<8x128xi32, #tpu.memory_space<vmem>> -> memref<1x128xi32, #tpu.memory_space<vmem>>
    %dma_start3A_185 = tpu.memref_squeeze %dma_start3A_184 : memref<1x128xi32, #tpu.memory_space<vmem>> -> memref<128xi32, #tpu.memory_space<vmem>>
    %dma_start3A_186 = arith.constant 0 : i32
    %dma_start3A_187 = tpu.memref_slice %arg13[%dma_start3A_186] : memref<2048xf32, #tpu.memory_space<vmem_shared>> -> memref<2048xf32, #tpu.memory_space<vmem_shared>>
    tpu.enqueue_indirect_dma source(%arg7 : memref<128xf32, #tpu.memory_space<vmem>>) target(%dma_start3A_187 : memref<2048xf32, #tpu.memory_space<vmem_shared>>) offsets(%dma_start3A_185 : memref<128xi32, #tpu.memory_space<vmem>>) semaphore(%arg16 : memref<!tpu.dma_semaphore, #tpu.memory_space<semaphore_mem>>) {add = true}
    %dma_start3A_188 = arith.constant 5 : i32
    %dma_start3A_189 = arith.constant 0 : i32
    %dma_start3A_190 = tpu.memref_slice %arg6[%dma_start3A_188, %dma_start3A_189] : memref<8x128xi32, #tpu.memory_space<vmem>> -> memref<1x128xi32, #tpu.memory_space<vmem>>
    %dma_start3A_191 = tpu.memref_squeeze %dma_start3A_190 : memref<1x128xi32, #tpu.memory_space<vmem>> -> memref<128xi32, #tpu.memory_space<vmem>>
    %dma_start3A_192 = arith.constant 0 : i32
    %dma_start3A_193 = tpu.memref_slice %arg13[%dma_start3A_192] : memref<2048xf32, #tpu.memory_space<vmem_shared>> -> memref<2048xf32, #tpu.memory_space<vmem_shared>>
    tpu.enqueue_indirect_dma source(%arg7 : memref<128xf32, #tpu.memory_space<vmem>>) target(%dma_start3A_193 : memref<2048xf32, #tpu.memory_space<vmem_shared>>) offsets(%dma_start3A_191 : memref<128xi32, #tpu.memory_space<vmem>>) semaphore(%arg16 : memref<!tpu.dma_semaphore, #tpu.memory_space<semaphore_mem>>) {add = true}
    %dma_start3A_194 = arith.constant 6 : i32
    %dma_start3A_195 = arith.constant 0 : i32
    %dma_start3A_196 = tpu.memref_slice %arg6[%dma_start3A_194, %dma_start3A_195] : memref<8x128xi32, #tpu.memory_space<vmem>> -> memref<1x128xi32, #tpu.memory_space<vmem>>
    %dma_start3A_197 = tpu.memref_squeeze %dma_start3A_196 : memref<1x128xi32, #tpu.memory_space<vmem>> -> memref<128xi32, #tpu.memory_space<vmem>>
    %dma_start3A_198 = arith.constant 0 : i32
    %dma_start3A_199 = tpu.memref_slice %arg13[%dma_start3A_198] : memref<2048xf32, #tpu.memory_space<vmem_shared>> -> memref<2048xf32, #tpu.memory_space<vmem_shared>>
    tpu.enqueue_indirect_dma source(%arg7 : memref<128xf32, #tpu.memory_space<vmem>>) target(%dma_start3A_199 : memref<2048xf32, #tpu.memory_space<vmem_shared>>) offsets(%dma_start3A_197 : memref<128xi32, #tpu.memory_space<vmem>>) semaphore(%arg16 : memref<!tpu.dma_semaphore, #tpu.memory_space<semaphore_mem>>) {add = true}
    %dma_start3A_200 = arith.constant 7 : i32
    %dma_start3A_201 = arith.constant 0 : i32
    %dma_start3A_202 = tpu.memref_slice %arg6[%dma_start3A_200, %dma_start3A_201] : memref<8x128xi32, #tpu.memory_space<vmem>> -> memref<1x128xi32, #tpu.memory_space<vmem>>
    %dma_start3A_203 = tpu.memref_squeeze %dma_start3A_202 : memref<1x128xi32, #tpu.memory_space<vmem>> -> memref<128xi32, #tpu.memory_space<vmem>>
    %dma_start3A_204 = arith.constant 0 : i32
    %dma_start3A_205 = tpu.memref_slice %arg13[%dma_start3A_204] : memref<2048xf32, #tpu.memory_space<vmem_shared>> -> memref<2048xf32, #tpu.memory_space<vmem_shared>>
    tpu.enqueue_indirect_dma source(%arg7 : memref<128xf32, #tpu.memory_space<vmem>>) target(%dma_start3A_205 : memref<2048xf32, #tpu.memory_space<vmem_shared>>) offsets(%dma_start3A_203 : memref<128xi32, #tpu.memory_space<vmem>>) semaphore(%arg16 : memref<!tpu.dma_semaphore, #tpu.memory_space<semaphore_mem>>) {add = true}
    %dma_wait3A_206 = arith.constant 0 : i32
    %dma_wait3A_207 = arith.constant 0 : i32
    %dma_wait3A_208 = tpu.memref_slice %arg6[%dma_wait3A_206, %dma_wait3A_207] : memref<8x128xi32, #tpu.memory_space<vmem>> -> memref<1x128xi32, #tpu.memory_space<vmem>>
    %dma_wait3A_209 = tpu.memref_squeeze %dma_wait3A_208 : memref<1x128xi32, #tpu.memory_space<vmem>> -> memref<128xi32, #tpu.memory_space<vmem>>
    %dma_wait3A_210 = arith.constant 0 : i32
    %dma_wait3A_211 = tpu.memref_slice %arg13[%dma_wait3A_210] : memref<2048xf32, #tpu.memory_space<vmem_shared>> -> memref<2048xf32, #tpu.memory_space<vmem_shared>>
    tpu.wait_indirect_dma semaphore(%arg16 : memref<!tpu.dma_semaphore, #tpu.memory_space<semaphore_mem>>) src(%arg7 : memref<128xf32, #tpu.memory_space<vmem>>) dst(%dma_wait3A_211 : memref<2048xf32, #tpu.memory_space<vmem_shared>>)
    %dma_wait3A_212 = arith.constant 1 : i32
    %dma_wait3A_213 = arith.constant 0 : i32
    %dma_wait3A_214 = tpu.memref_slice %arg6[%dma_wait3A_212, %dma_wait3A_213] : memref<8x128xi32, #tpu.memory_space<vmem>> -> memref<1x128xi32, #tpu.memory_space<vmem>>
    %dma_wait3A_215 = tpu.memref_squeeze %dma_wait3A_214 : memref<1x128xi32, #tpu.memory_space<vmem>> -> memref<128xi32, #tpu.memory_space<vmem>>
    %dma_wait3A_216 = arith.constant 0 : i32
    %dma_wait3A_217 = tpu.memref_slice %arg13[%dma_wait3A_216] : memref<2048xf32, #tpu.memory_space<vmem_shared>> -> memref<2048xf32, #tpu.memory_space<vmem_shared>>
    tpu.wait_indirect_dma semaphore(%arg16 : memref<!tpu.dma_semaphore, #tpu.memory_space<semaphore_mem>>) src(%arg7 : memref<128xf32, #tpu.memory_space<vmem>>) dst(%dma_wait3A_217 : memref<2048xf32, #tpu.memory_space<vmem_shared>>)
    %dma_wait3A_218 = arith.constant 2 : i32
    %dma_wait3A_219 = arith.constant 0 : i32
    %dma_wait3A_220 = tpu.memref_slice %arg6[%dma_wait3A_218, %dma_wait3A_219] : memref<8x128xi32, #tpu.memory_space<vmem>> -> memref<1x128xi32, #tpu.memory_space<vmem>>
    %dma_wait3A_221 = tpu.memref_squeeze %dma_wait3A_220 : memref<1x128xi32, #tpu.memory_space<vmem>> -> memref<128xi32, #tpu.memory_space<vmem>>
    %dma_wait3A_222 = arith.constant 0 : i32
    %dma_wait3A_223 = tpu.memref_slice %arg13[%dma_wait3A_222] : memref<2048xf32, #tpu.memory_space<vmem_shared>> -> memref<2048xf32, #tpu.memory_space<vmem_shared>>
    tpu.wait_indirect_dma semaphore(%arg16 : memref<!tpu.dma_semaphore, #tpu.memory_space<semaphore_mem>>) src(%arg7 : memref<128xf32, #tpu.memory_space<vmem>>) dst(%dma_wait3A_223 : memref<2048xf32, #tpu.memory_space<vmem_shared>>)
    %dma_wait3A_224 = arith.constant 3 : i32
    %dma_wait3A_225 = arith.constant 0 : i32
    %dma_wait3A_226 = tpu.memref_slice %arg6[%dma_wait3A_224, %dma_wait3A_225] : memref<8x128xi32, #tpu.memory_space<vmem>> -> memref<1x128xi32, #tpu.memory_space<vmem>>
    %dma_wait3A_227 = tpu.memref_squeeze %dma_wait3A_226 : memref<1x128xi32, #tpu.memory_space<vmem>> -> memref<128xi32, #tpu.memory_space<vmem>>
    %dma_wait3A_228 = arith.constant 0 : i32
    %dma_wait3A_229 = tpu.memref_slice %arg13[%dma_wait3A_228] : memref<2048xf32, #tpu.memory_space<vmem_shared>> -> memref<2048xf32, #tpu.memory_space<vmem_shared>>
    tpu.wait_indirect_dma semaphore(%arg16 : memref<!tpu.dma_semaphore, #tpu.memory_space<semaphore_mem>>) src(%arg7 : memref<128xf32, #tpu.memory_space<vmem>>) dst(%dma_wait3A_229 : memref<2048xf32, #tpu.memory_space<vmem_shared>>)
    %dma_wait3A_230 = arith.constant 4 : i32
    %dma_wait3A_231 = arith.constant 0 : i32
    %dma_wait3A_232 = tpu.memref_slice %arg6[%dma_wait3A_230, %dma_wait3A_231] : memref<8x128xi32, #tpu.memory_space<vmem>> -> memref<1x128xi32, #tpu.memory_space<vmem>>
    %dma_wait3A_233 = tpu.memref_squeeze %dma_wait3A_232 : memref<1x128xi32, #tpu.memory_space<vmem>> -> memref<128xi32, #tpu.memory_space<vmem>>
    %dma_wait3A_234 = arith.constant 0 : i32
    %dma_wait3A_235 = tpu.memref_slice %arg13[%dma_wait3A_234] : memref<2048xf32, #tpu.memory_space<vmem_shared>> -> memref<2048xf32, #tpu.memory_space<vmem_shared>>
    tpu.wait_indirect_dma semaphore(%arg16 : memref<!tpu.dma_semaphore, #tpu.memory_space<semaphore_mem>>) src(%arg7 : memref<128xf32, #tpu.memory_space<vmem>>) dst(%dma_wait3A_235 : memref<2048xf32, #tpu.memory_space<vmem_shared>>)
    %dma_wait3A_236 = arith.constant 5 : i32
    %dma_wait3A_237 = arith.constant 0 : i32
    %dma_wait3A_238 = tpu.memref_slice %arg6[%dma_wait3A_236, %dma_wait3A_237] : memref<8x128xi32, #tpu.memory_space<vmem>> -> memref<1x128xi32, #tpu.memory_space<vmem>>
    %dma_wait3A_239 = tpu.memref_squeeze %dma_wait3A_238 : memref<1x128xi32, #tpu.memory_space<vmem>> -> memref<128xi32, #tpu.memory_space<vmem>>
    %dma_wait3A_240 = arith.constant 0 : i32
    %dma_wait3A_241 = tpu.memref_slice %arg13[%dma_wait3A_240] : memref<2048xf32, #tpu.memory_space<vmem_shared>> -> memref<2048xf32, #tpu.memory_space<vmem_shared>>
    tpu.wait_indirect_dma semaphore(%arg16 : memref<!tpu.dma_semaphore, #tpu.memory_space<semaphore_mem>>) src(%arg7 : memref<128xf32, #tpu.memory_space<vmem>>) dst(%dma_wait3A_241 : memref<2048xf32, #tpu.memory_space<vmem_shared>>)
    %dma_wait3A_242 = arith.constant 6 : i32
    %dma_wait3A_243 = arith.constant 0 : i32
    %dma_wait3A_244 = tpu.memref_slice %arg6[%dma_wait3A_242, %dma_wait3A_243] : memref<8x128xi32, #tpu.memory_space<vmem>> -> memref<1x128xi32, #tpu.memory_space<vmem>>
    %dma_wait3A_245 = tpu.memref_squeeze %dma_wait3A_244 : memref<1x128xi32, #tpu.memory_space<vmem>> -> memref<128xi32, #tpu.memory_space<vmem>>
    %dma_wait3A_246 = arith.constant 0 : i32
    %dma_wait3A_247 = tpu.memref_slice %arg13[%dma_wait3A_246] : memref<2048xf32, #tpu.memory_space<vmem_shared>> -> memref<2048xf32, #tpu.memory_space<vmem_shared>>
    tpu.wait_indirect_dma semaphore(%arg16 : memref<!tpu.dma_semaphore, #tpu.memory_space<semaphore_mem>>) src(%arg7 : memref<128xf32, #tpu.memory_space<vmem>>) dst(%dma_wait3A_247 : memref<2048xf32, #tpu.memory_space<vmem_shared>>)
    %dma_wait3A_248 = arith.constant 7 : i32
    %dma_wait3A_249 = arith.constant 0 : i32
    %dma_wait3A_250 = tpu.memref_slice %arg6[%dma_wait3A_248, %dma_wait3A_249] : memref<8x128xi32, #tpu.memory_space<vmem>> -> memref<1x128xi32, #tpu.memory_space<vmem>>
    %dma_wait3A_251 = tpu.memref_squeeze %dma_wait3A_250 : memref<1x128xi32, #tpu.memory_space<vmem>> -> memref<128xi32, #tpu.memory_space<vmem>>
    %dma_wait3A_252 = arith.constant 0 : i32
    %dma_wait3A_253 = tpu.memref_slice %arg13[%dma_wait3A_252] : memref<2048xf32, #tpu.memory_space<vmem_shared>> -> memref<2048xf32, #tpu.memory_space<vmem_shared>>
    tpu.wait_indirect_dma semaphore(%arg16 : memref<!tpu.dma_semaphore, #tpu.memory_space<semaphore_mem>>) src(%arg7 : memref<128xf32, #tpu.memory_space<vmem>>) dst(%dma_wait3A_253 : memref<2048xf32, #tpu.memory_space<vmem_shared>>)
    %barrier3A_254 = arith.constant 0 : index
    tpu.barrier barrier_id(%barrier3A_254)
    %mul3A_255 = arith.constant 128 : i32
    %mul3A_256 = arith.muli %arg1, %mul3A_255 : i32
    "tpu.region"() ({
      %run_scoped3A = tpu.sem_alloc : memref<!tpu.dma_semaphore, #tpu.memory_space<semaphore_mem>>
      %dma_start3A_298 = tpu.memref_slice %arg13[%mul3A_256] : memref<2048xf32, #tpu.memory_space<vmem_shared>> -> memref<128xf32, #tpu.memory_space<vmem_shared>>
      %dma_start3A_299 = tpu.memref_slice %arg13[%mul3A_256] : memref<2048xf32, #tpu.memory_space<vmem_shared>> -> memref<128xf32, #tpu.memory_space<vmem_shared>>
      tpu.enqueue_dma source(%dma_start3A_299 : memref<128xf32, #tpu.memory_space<vmem_shared>>) target(%arg9 : memref<128xf32, #tpu.memory_space<vmem>>) target_semaphore(%run_scoped3A : memref<!tpu.dma_semaphore, #tpu.memory_space<semaphore_mem>>)
      %dma_wait3A_300 = tpu.memref_slice %arg13[%mul3A_256] : memref<2048xf32, #tpu.memory_space<vmem_shared>> -> memref<128xf32, #tpu.memory_space<vmem_shared>>
      %dma_wait3A_301 = tpu.memref_slice %arg13[%mul3A_256] : memref<2048xf32, #tpu.memory_space<vmem_shared>> -> memref<128xf32, #tpu.memory_space<vmem_shared>>
      tpu.wait_dma2 semaphore(%run_scoped3A : memref<!tpu.dma_semaphore, #tpu.memory_space<semaphore_mem>>) src(%dma_wait3A_301 : memref<128xf32, #tpu.memory_space<vmem_shared>>) dst(%arg9 : memref<128xf32, #tpu.memory_space<vmem>>)
      tpu.yield
    }) : () -> ()
    %dma_wait3A_257 = arith.constant 0 : i32
    %dma_wait3A_258 = tpu.memref_slice %arg2[%mul3A_0, %dma_wait3A_257] : memref<2048x96xf32, #tpu.memory_space<hbm>> -> memref<128x96xf32, #tpu.memory_space<hbm>>
    %dma_wait3A_259 = arith.constant 0 : i32
    %dma_wait3A_260 = tpu.memref_slice %arg2[%mul3A_0, %dma_wait3A_259] : memref<2048x96xf32, #tpu.memory_space<hbm>> -> memref<128x96xf32, #tpu.memory_space<hbm>>
    tpu.wait_dma2 semaphore(%arg15 : memref<!tpu.dma_semaphore, #tpu.memory_space<semaphore_mem>>) src(%dma_wait3A_260 : memref<128x96xf32, #tpu.memory_space<hbm>>) dst(%arg5 : memref<128x96xf32, #tpu.memory_space<vmem>>)
    %broadcast_in_dim3A_261 = arith.constant 0.000000e+00 : f32
    %broadcast_in_dim3A_262 = vector.broadcast %broadcast_in_dim3A_261 : f32 to vector<16xf32>
    %scan3A = arith.constant 0 : i32
    %scan3A_263 = arith.constant 8 : i32
    %scan3A_264 = arith.addi %scan3A, %scan3A_263 : i32
    %scan3A_265 = arith.constant 1 : i32
    %scan3A_266:6 = scf.for %scan3A_298 = %scan3A to %scan3A_264 step %scan3A_265 iter_args(%scan3A_299 = %broadcast_in_dim3A_262, %scan3A_300 = %broadcast_in_dim3A_262, %scan3A_301 = %broadcast_in_dim3A_262, %scan3A_302 = %broadcast_in_dim3A_262, %scan3A_303 = %broadcast_in_dim3A_262, %scan3A_304 = %broadcast_in_dim3A_262) -> (vector<16xf32>, vector<16xf32>, vector<16xf32>, vector<16xf32>, vector<16xf32>, vector<16xf32>)  : i32 {
      %mul3A_305 = arith.constant 16 : i32
      %mul3A_306 = arith.muli %scan3A_298, %mul3A_305 : i32
      %get3A = arith.index_cast %mul3A_306 : i32 to index
      %get3A_307 = tpu.vector_load %arg9[%get3A] {strides = array<i32>} : memref<128xf32, #tpu.memory_space<vmem>>, vector<16xf32>,
      %get3A_308 = vector.shape_cast %get3A_307 : vector<16xf32> to vector<16xf32>
      %broadcast_in_dim3A_309 = arith.constant 0 : i32
      %broadcast_in_dim3A_310 = vector.broadcast %broadcast_in_dim3A_309 : i32 to vector<16x1xi32>
      %gather3A = vector.shape_cast %broadcast_in_dim3A_310 : vector<16x1xi32> to vector<16xi32>
      %gather3A_311 = tpu.dynamic_gather %get3A_308[%gather3A] in [0] : vector<16xf32>, vector<16xi32> -> vector<16xf32>
      %mul3A_312 = arith.constant 16 : i32
      %mul3A_313 = arith.muli %scan3A_298, %mul3A_312 : i32
      %add3A_314 = arith.constant 0 : i32
      %add3A_315 = arith.addi %mul3A_313, %add3A_314 : i32
      %get3A_316 = arith.index_cast %add3A_315 : i32 to index
      %get3A_317 = arith.constant 0 : index
      %get3A_318 = tpu.vector_load %arg5[%get3A_316, %get3A_317] {strides = array<i32>} : memref<128x96xf32, #tpu.memory_space<vmem>>, vector<1x16xf32>,
      %get3A_319 = vector.shape_cast %get3A_318 : vector<1x16xf32> to vector<16xf32>
      %mul3A_320 = arith.mulf %gather3A_311, %get3A_319 : vector<16xf32>
      %add3A_321 = arith.addf %scan3A_299, %mul3A_320 : vector<16xf32>
      %mul3A_322 = arith.constant 16 : i32
      %mul3A_323 = arith.muli %scan3A_298, %mul3A_322 : i32
      %add3A_324 = arith.constant 0 : i32
      %add3A_325 = arith.addi %mul3A_323, %add3A_324 : i32
      %get3A_326 = arith.index_cast %add3A_325 : i32 to index
      %get3A_327 = arith.constant 16 : index
      %get3A_328 = tpu.vector_load %arg5[%get3A_326, %get3A_327] {strides = array<i32>} : memref<128x96xf32, #tpu.memory_space<vmem>>, vector<1x16xf32>,
      %get3A_329 = vector.shape_cast %get3A_328 : vector<1x16xf32> to vector<16xf32>
      %mul3A_330 = arith.mulf %gather3A_311, %get3A_329 : vector<16xf32>
      %add3A_331 = arith.addf %scan3A_300, %mul3A_330 : vector<16xf32>
      %mul3A_332 = arith.constant 16 : i32
      %mul3A_333 = arith.muli %scan3A_298, %mul3A_332 : i32
      %add3A_334 = arith.constant 0 : i32
      %add3A_335 = arith.addi %mul3A_333, %add3A_334 : i32
      %get3A_336 = arith.index_cast %add3A_335 : i32 to index
      %get3A_337 = arith.constant 32 : index
      %get3A_338 = tpu.vector_load %arg5[%get3A_336, %get3A_337] {strides = array<i32>} : memref<128x96xf32, #tpu.memory_space<vmem>>, vector<1x16xf32>,
      %get3A_339 = vector.shape_cast %get3A_338 : vector<1x16xf32> to vector<16xf32>
      %mul3A_340 = arith.mulf %gather3A_311, %get3A_339 : vector<16xf32>
      %add3A_341 = arith.addf %scan3A_301, %mul3A_340 : vector<16xf32>
      %mul3A_342 = arith.constant 16 : i32
      %mul3A_343 = arith.muli %scan3A_298, %mul3A_342 : i32
      %add3A_344 = arith.constant 0 : i32
      %add3A_345 = arith.addi %mul3A_343, %add3A_344 : i32
      %get3A_346 = arith.index_cast %add3A_345 : i32 to index
      %get3A_347 = arith.constant 48 : index
      %get3A_348 = tpu.vector_load %arg5[%get3A_346, %get3A_347] {strides = array<i32>} : memref<128x96xf32, #tpu.memory_space<vmem>>, vector<1x16xf32>,
      %get3A_349 = vector.shape_cast %get3A_348 : vector<1x16xf32> to vector<16xf32>
      %mul3A_350 = arith.mulf %gather3A_311, %get3A_349 : vector<16xf32>
      %add3A_351 = arith.addf %scan3A_302, %mul3A_350 : vector<16xf32>
      %mul3A_352 = arith.constant 16 : i32
      %mul3A_353 = arith.muli %scan3A_298, %mul3A_352 : i32
      %add3A_354 = arith.constant 0 : i32
      %add3A_355 = arith.addi %mul3A_353, %add3A_354 : i32
      %get3A_356 = arith.index_cast %add3A_355 : i32 to index
      %get3A_357 = arith.constant 64 : index
      %get3A_358 = tpu.vector_load %arg5[%get3A_356, %get3A_357] {strides = array<i32>} : memref<128x96xf32, #tpu.memory_space<vmem>>, vector<1x16xf32>,
      %get3A_359 = vector.shape_cast %get3A_358 : vector<1x16xf32> to vector<16xf32>
      %mul3A_360 = arith.mulf %gather3A_311, %get3A_359 : vector<16xf32>
      %add3A_361 = arith.addf %scan3A_303, %mul3A_360 : vector<16xf32>
      %mul3A_362 = arith.constant 16 : i32
      %mul3A_363 = arith.muli %scan3A_298, %mul3A_362 : i32
      %add3A_364 = arith.constant 0 : i32
      %add3A_365 = arith.addi %mul3A_363, %add3A_364 : i32
      %get3A_366 = arith.index_cast %add3A_365 : i32 to index
      %get3A_367 = arith.constant 80 : index
      %get3A_368 = tpu.vector_load %arg5[%get3A_366, %get3A_367] {strides = array<i32>} : memref<128x96xf32, #tpu.memory_space<vmem>>, vector<1x16xf32>,
      %get3A_369 = vector.shape_cast %get3A_368 : vector<1x16xf32> to vector<16xf32>
      %mul3A_370 = arith.mulf %gather3A_311, %get3A_369 : vector<16xf32>
      %add3A_371 = arith.addf %scan3A_304, %mul3A_370 : vector<16xf32>
      %broadcast_in_dim3A_372 = arith.constant 1 : i32
      %broadcast_in_dim3A_373 = vector.broadcast %broadcast_in_dim3A_372 : i32 to vector<16x1xi32>
      %gather3A_374 = vector.shape_cast %broadcast_in_dim3A_373 : vector<16x1xi32> to vector<16xi32>
      %gather3A_375 = tpu.dynamic_gather %get3A_308[%gather3A_374] in [0] : vector<16xf32>, vector<16xi32> -> vector<16xf32>
      %mul3A_376 = arith.constant 16 : i32
      %mul3A_377 = arith.muli %scan3A_298, %mul3A_376 : i32
      %add3A_378 = arith.constant 1 : i32
      %add3A_379 = arith.addi %mul3A_377, %add3A_378 : i32
      %get3A_380 = arith.index_cast %add3A_379 : i32 to index
      %get3A_381 = arith.constant 0 : index
      %get3A_382 = tpu.vector_load %arg5[%get3A_380, %get3A_381] {strides = array<i32>} : memref<128x96xf32, #tpu.memory_space<vmem>>, vector<1x16xf32>,
      %get3A_383 = vector.shape_cast %get3A_382 : vector<1x16xf32> to vector<16xf32>
      %mul3A_384 = arith.mulf %gather3A_375, %get3A_383 : vector<16xf32>
      %add3A_385 = arith.addf %add3A_321, %mul3A_384 : vector<16xf32>
      %mul3A_386 = arith.constant 16 : i32
      %mul3A_387 = arith.muli %scan3A_298, %mul3A_386 : i32
      %add3A_388 = arith.constant 1 : i32
      %add3A_389 = arith.addi %mul3A_387, %add3A_388 : i32
      %get3A_390 = arith.index_cast %add3A_389 : i32 to index
      %get3A_391 = arith.constant 16 : index
      %get3A_392 = tpu.vector_load %arg5[%get3A_390, %get3A_391] {strides = array<i32>} : memref<128x96xf32, #tpu.memory_space<vmem>>, vector<1x16xf32>,
      %get3A_393 = vector.shape_cast %get3A_392 : vector<1x16xf32> to vector<16xf32>
      %mul3A_394 = arith.mulf %gather3A_375, %get3A_393 : vector<16xf32>
      %add3A_395 = arith.addf %add3A_331, %mul3A_394 : vector<16xf32>
      %mul3A_396 = arith.constant 16 : i32
      %mul3A_397 = arith.muli %scan3A_298, %mul3A_396 : i32
      %add3A_398 = arith.constant 1 : i32
      %add3A_399 = arith.addi %mul3A_397, %add3A_398 : i32
      %get3A_400 = arith.index_cast %add3A_399 : i32 to index
      %get3A_401 = arith.constant 32 : index
      %get3A_402 = tpu.vector_load %arg5[%get3A_400, %get3A_401] {strides = array<i32>} : memref<128x96xf32, #tpu.memory_space<vmem>>, vector<1x16xf32>,
      %get3A_403 = vector.shape_cast %get3A_402 : vector<1x16xf32> to vector<16xf32>
      %mul3A_404 = arith.mulf %gather3A_375, %get3A_403 : vector<16xf32>
      %add3A_405 = arith.addf %add3A_341, %mul3A_404 : vector<16xf32>
      %mul3A_406 = arith.constant 16 : i32
      %mul3A_407 = arith.muli %scan3A_298, %mul3A_406 : i32
      %add3A_408 = arith.constant 1 : i32
      %add3A_409 = arith.addi %mul3A_407, %add3A_408 : i32
      %get3A_410 = arith.index_cast %add3A_409 : i32 to index
      %get3A_411 = arith.constant 48 : index
      %get3A_412 = tpu.vector_load %arg5[%get3A_410, %get3A_411] {strides = array<i32>} : memref<128x96xf32, #tpu.memory_space<vmem>>, vector<1x16xf32>,
      %get3A_413 = vector.shape_cast %get3A_412 : vector<1x16xf32> to vector<16xf32>
      %mul3A_414 = arith.mulf %gather3A_375, %get3A_413 : vector<16xf32>
      %add3A_415 = arith.addf %add3A_351, %mul3A_414 : vector<16xf32>
      %mul3A_416 = arith.constant 16 : i32
      %mul3A_417 = arith.muli %scan3A_298, %mul3A_416 : i32
      %add3A_418 = arith.constant 1 : i32
      %add3A_419 = arith.addi %mul3A_417, %add3A_418 : i32
      %get3A_420 = arith.index_cast %add3A_419 : i32 to index
      %get3A_421 = arith.constant 64 : index
      %get3A_422 = tpu.vector_load %arg5[%get3A_420, %get3A_421] {strides = array<i32>} : memref<128x96xf32, #tpu.memory_space<vmem>>, vector<1x16xf32>,
      %get3A_423 = vector.shape_cast %get3A_422 : vector<1x16xf32> to vector<16xf32>
      %mul3A_424 = arith.mulf %gather3A_375, %get3A_423 : vector<16xf32>
      %add3A_425 = arith.addf %add3A_361, %mul3A_424 : vector<16xf32>
      %mul3A_426 = arith.constant 16 : i32
      %mul3A_427 = arith.muli %scan3A_298, %mul3A_426 : i32
      %add3A_428 = arith.constant 1 : i32
      %add3A_429 = arith.addi %mul3A_427, %add3A_428 : i32
      %get3A_430 = arith.index_cast %add3A_429 : i32 to index
      %get3A_431 = arith.constant 80 : index
      %get3A_432 = tpu.vector_load %arg5[%get3A_430, %get3A_431] {strides = array<i32>} : memref<128x96xf32, #tpu.memory_space<vmem>>, vector<1x16xf32>,
      %get3A_433 = vector.shape_cast %get3A_432 : vector<1x16xf32> to vector<16xf32>
      %mul3A_434 = arith.mulf %gather3A_375, %get3A_433 : vector<16xf32>
      %add3A_435 = arith.addf %add3A_371, %mul3A_434 : vector<16xf32>
      %broadcast_in_dim3A_436 = arith.constant 2 : i32
      %broadcast_in_dim3A_437 = vector.broadcast %broadcast_in_dim3A_436 : i32 to vector<16x1xi32>
      %gather3A_438 = vector.shape_cast %broadcast_in_dim3A_437 : vector<16x1xi32> to vector<16xi32>
      %gather3A_439 = tpu.dynamic_gather %get3A_308[%gather3A_438] in [0] : vector<16xf32>, vector<16xi32> -> vector<16xf32>
      %mul3A_440 = arith.constant 16 : i32
      %mul3A_441 = arith.muli %scan3A_298, %mul3A_440 : i32
      %add3A_442 = arith.constant 2 : i32
      %add3A_443 = arith.addi %mul3A_441, %add3A_442 : i32
      %get3A_444 = arith.index_cast %add3A_443 : i32 to index
      %get3A_445 = arith.constant 0 : index
      %get3A_446 = tpu.vector_load %arg5[%get3A_444, %get3A_445] {strides = array<i32>} : memref<128x96xf32, #tpu.memory_space<vmem>>, vector<1x16xf32>,
      %get3A_447 = vector.shape_cast %get3A_446 : vector<1x16xf32> to vector<16xf32>
      %mul3A_448 = arith.mulf %gather3A_439, %get3A_447 : vector<16xf32>
      %add3A_449 = arith.addf %add3A_385, %mul3A_448 : vector<16xf32>
      %mul3A_450 = arith.constant 16 : i32
      %mul3A_451 = arith.muli %scan3A_298, %mul3A_450 : i32
      %add3A_452 = arith.constant 2 : i32
      %add3A_453 = arith.addi %mul3A_451, %add3A_452 : i32
      %get3A_454 = arith.index_cast %add3A_453 : i32 to index
      %get3A_455 = arith.constant 16 : index
      %get3A_456 = tpu.vector_load %arg5[%get3A_454, %get3A_455] {strides = array<i32>} : memref<128x96xf32, #tpu.memory_space<vmem>>, vector<1x16xf32>,
      %get3A_457 = vector.shape_cast %get3A_456 : vector<1x16xf32> to vector<16xf32>
      %mul3A_458 = arith.mulf %gather3A_439, %get3A_457 : vector<16xf32>
      %add3A_459 = arith.addf %add3A_395, %mul3A_458 : vector<16xf32>
      %mul3A_460 = arith.constant 16 : i32
      %mul3A_461 = arith.muli %scan3A_298, %mul3A_460 : i32
      %add3A_462 = arith.constant 2 : i32
      %add3A_463 = arith.addi %mul3A_461, %add3A_462 : i32
      %get3A_464 = arith.index_cast %add3A_463 : i32 to index
      %get3A_465 = arith.constant 32 : index
      %get3A_466 = tpu.vector_load %arg5[%get3A_464, %get3A_465] {strides = array<i32>} : memref<128x96xf32, #tpu.memory_space<vmem>>, vector<1x16xf32>,
      %get3A_467 = vector.shape_cast %get3A_466 : vector<1x16xf32> to vector<16xf32>
      %mul3A_468 = arith.mulf %gather3A_439, %get3A_467 : vector<16xf32>
      %add3A_469 = arith.addf %add3A_405, %mul3A_468 : vector<16xf32>
      %mul3A_470 = arith.constant 16 : i32
      %mul3A_471 = arith.muli %scan3A_298, %mul3A_470 : i32
      %add3A_472 = arith.constant 2 : i32
      %add3A_473 = arith.addi %mul3A_471, %add3A_472 : i32
      %get3A_474 = arith.index_cast %add3A_473 : i32 to index
      %get3A_475 = arith.constant 48 : index
      %get3A_476 = tpu.vector_load %arg5[%get3A_474, %get3A_475] {strides = array<i32>} : memref<128x96xf32, #tpu.memory_space<vmem>>, vector<1x16xf32>,
      %get3A_477 = vector.shape_cast %get3A_476 : vector<1x16xf32> to vector<16xf32>
      %mul3A_478 = arith.mulf %gather3A_439, %get3A_477 : vector<16xf32>
      %add3A_479 = arith.addf %add3A_415, %mul3A_478 : vector<16xf32>
      %mul3A_480 = arith.constant 16 : i32
      %mul3A_481 = arith.muli %scan3A_298, %mul3A_480 : i32
      %add3A_482 = arith.constant 2 : i32
      %add3A_483 = arith.addi %mul3A_481, %add3A_482 : i32
      %get3A_484 = arith.index_cast %add3A_483 : i32 to index
      %get3A_485 = arith.constant 64 : index
      %get3A_486 = tpu.vector_load %arg5[%get3A_484, %get3A_485] {strides = array<i32>} : memref<128x96xf32, #tpu.memory_space<vmem>>, vector<1x16xf32>,
      %get3A_487 = vector.shape_cast %get3A_486 : vector<1x16xf32> to vector<16xf32>
      %mul3A_488 = arith.mulf %gather3A_439, %get3A_487 : vector<16xf32>
      %add3A_489 = arith.addf %add3A_425, %mul3A_488 : vector<16xf32>
      %mul3A_490 = arith.constant 16 : i32
      %mul3A_491 = arith.muli %scan3A_298, %mul3A_490 : i32
      %add3A_492 = arith.constant 2 : i32
      %add3A_493 = arith.addi %mul3A_491, %add3A_492 : i32
      %get3A_494 = arith.index_cast %add3A_493 : i32 to index
      %get3A_495 = arith.constant 80 : index
      %get3A_496 = tpu.vector_load %arg5[%get3A_494, %get3A_495] {strides = array<i32>} : memref<128x96xf32, #tpu.memory_space<vmem>>, vector<1x16xf32>,
      %get3A_497 = vector.shape_cast %get3A_496 : vector<1x16xf32> to vector<16xf32>
      %mul3A_498 = arith.mulf %gather3A_439, %get3A_497 : vector<16xf32>
      %add3A_499 = arith.addf %add3A_435, %mul3A_498 : vector<16xf32>
      %broadcast_in_dim3A_500 = arith.constant 3 : i32
      %broadcast_in_dim3A_501 = vector.broadcast %broadcast_in_dim3A_500 : i32 to vector<16x1xi32>
      %gather3A_502 = vector.shape_cast %broadcast_in_dim3A_501 : vector<16x1xi32> to vector<16xi32>
      %gather3A_503 = tpu.dynamic_gather %get3A_308[%gather3A_502] in [0] : vector<16xf32>, vector<16xi32> -> vector<16xf32>
      %mul3A_504 = arith.constant 16 : i32
      %mul3A_505 = arith.muli %scan3A_298, %mul3A_504 : i32
      %add3A_506 = arith.constant 3 : i32
      %add3A_507 = arith.addi %mul3A_505, %add3A_506 : i32
      %get3A_508 = arith.index_cast %add3A_507 : i32 to index
      %get3A_509 = arith.constant 0 : index
      %get3A_510 = tpu.vector_load %arg5[%get3A_508, %get3A_509] {strides = array<i32>} : memref<128x96xf32, #tpu.memory_space<vmem>>, vector<1x16xf32>,
      %get3A_511 = vector.shape_cast %get3A_510 : vector<1x16xf32> to vector<16xf32>
      %mul3A_512 = arith.mulf %gather3A_503, %get3A_511 : vector<16xf32>
      %add3A_513 = arith.addf %add3A_449, %mul3A_512 : vector<16xf32>
      %mul3A_514 = arith.constant 16 : i32
      %mul3A_515 = arith.muli %scan3A_298, %mul3A_514 : i32
      %add3A_516 = arith.constant 3 : i32
      %add3A_517 = arith.addi %mul3A_515, %add3A_516 : i32
      %get3A_518 = arith.index_cast %add3A_517 : i32 to index
      %get3A_519 = arith.constant 16 : index
      %get3A_520 = tpu.vector_load %arg5[%get3A_518, %get3A_519] {strides = array<i32>} : memref<128x96xf32, #tpu.memory_space<vmem>>, vector<1x16xf32>,
      %get3A_521 = vector.shape_cast %get3A_520 : vector<1x16xf32> to vector<16xf32>
      %mul3A_522 = arith.mulf %gather3A_503, %get3A_521 : vector<16xf32>
      %add3A_523 = arith.addf %add3A_459, %mul3A_522 : vector<16xf32>
      %mul3A_524 = arith.constant 16 : i32
      %mul3A_525 = arith.muli %scan3A_298, %mul3A_524 : i32
      %add3A_526 = arith.constant 3 : i32
      %add3A_527 = arith.addi %mul3A_525, %add3A_526 : i32
      %get3A_528 = arith.index_cast %add3A_527 : i32 to index
      %get3A_529 = arith.constant 32 : index
      %get3A_530 = tpu.vector_load %arg5[%get3A_528, %get3A_529] {strides = array<i32>} : memref<128x96xf32, #tpu.memory_space<vmem>>, vector<1x16xf32>,
      %get3A_531 = vector.shape_cast %get3A_530 : vector<1x16xf32> to vector<16xf32>
      %mul3A_532 = arith.mulf %gather3A_503, %get3A_531 : vector<16xf32>
      %add3A_533 = arith.addf %add3A_469, %mul3A_532 : vector<16xf32>
      %mul3A_534 = arith.constant 16 : i32
      %mul3A_535 = arith.muli %scan3A_298, %mul3A_534 : i32
      %add3A_536 = arith.constant 3 : i32
      %add3A_537 = arith.addi %mul3A_535, %add3A_536 : i32
      %get3A_538 = arith.index_cast %add3A_537 : i32 to index
      %get3A_539 = arith.constant 48 : index
      %get3A_540 = tpu.vector_load %arg5[%get3A_538, %get3A_539] {strides = array<i32>} : memref<128x96xf32, #tpu.memory_space<vmem>>, vector<1x16xf32>,
      %get3A_541 = vector.shape_cast %get3A_540 : vector<1x16xf32> to vector<16xf32>
      %mul3A_542 = arith.mulf %gather3A_503, %get3A_541 : vector<16xf32>
      %add3A_543 = arith.addf %add3A_479, %mul3A_542 : vector<16xf32>
      %mul3A_544 = arith.constant 16 : i32
      %mul3A_545 = arith.muli %scan3A_298, %mul3A_544 : i32
      %add3A_546 = arith.constant 3 : i32
      %add3A_547 = arith.addi %mul3A_545, %add3A_546 : i32
      %get3A_548 = arith.index_cast %add3A_547 : i32 to index
      %get3A_549 = arith.constant 64 : index
      %get3A_550 = tpu.vector_load %arg5[%get3A_548, %get3A_549] {strides = array<i32>} : memref<128x96xf32, #tpu.memory_space<vmem>>, vector<1x16xf32>,
      %get3A_551 = vector.shape_cast %get3A_550 : vector<1x16xf32> to vector<16xf32>
      %mul3A_552 = arith.mulf %gather3A_503, %get3A_551 : vector<16xf32>
      %add3A_553 = arith.addf %add3A_489, %mul3A_552 : vector<16xf32>
      %mul3A_554 = arith.constant 16 : i32
      %mul3A_555 = arith.muli %scan3A_298, %mul3A_554 : i32
      %add3A_556 = arith.constant 3 : i32
      %add3A_557 = arith.addi %mul3A_555, %add3A_556 : i32
      %get3A_558 = arith.index_cast %add3A_557 : i32 to index
      %get3A_559 = arith.constant 80 : index
      %get3A_560 = tpu.vector_load %arg5[%get3A_558, %get3A_559] {strides = array<i32>} : memref<128x96xf32, #tpu.memory_space<vmem>>, vector<1x16xf32>,
      %get3A_561 = vector.shape_cast %get3A_560 : vector<1x16xf32> to vector<16xf32>
      %mul3A_562 = arith.mulf %gather3A_503, %get3A_561 : vector<16xf32>
      %add3A_563 = arith.addf %add3A_499, %mul3A_562 : vector<16xf32>
      %broadcast_in_dim3A_564 = arith.constant 4 : i32
      %broadcast_in_dim3A_565 = vector.broadcast %broadcast_in_dim3A_564 : i32 to vector<16x1xi32>
      %gather3A_566 = vector.shape_cast %broadcast_in_dim3A_565 : vector<16x1xi32> to vector<16xi32>
      %gather3A_567 = tpu.dynamic_gather %get3A_308[%gather3A_566] in [0] : vector<16xf32>, vector<16xi32> -> vector<16xf32>
      %mul3A_568 = arith.constant 16 : i32
      %mul3A_569 = arith.muli %scan3A_298, %mul3A_568 : i32
      %add3A_570 = arith.constant 4 : i32
      %add3A_571 = arith.addi %mul3A_569, %add3A_570 : i32
      %get3A_572 = arith.index_cast %add3A_571 : i32 to index
      %get3A_573 = arith.constant 0 : index
      %get3A_574 = tpu.vector_load %arg5[%get3A_572, %get3A_573] {strides = array<i32>} : memref<128x96xf32, #tpu.memory_space<vmem>>, vector<1x16xf32>,
      %get3A_575 = vector.shape_cast %get3A_574 : vector<1x16xf32> to vector<16xf32>
      %mul3A_576 = arith.mulf %gather3A_567, %get3A_575 : vector<16xf32>
      %add3A_577 = arith.addf %add3A_513, %mul3A_576 : vector<16xf32>
      %mul3A_578 = arith.constant 16 : i32
      %mul3A_579 = arith.muli %scan3A_298, %mul3A_578 : i32
      %add3A_580 = arith.constant 4 : i32
      %add3A_581 = arith.addi %mul3A_579, %add3A_580 : i32
      %get3A_582 = arith.index_cast %add3A_581 : i32 to index
      %get3A_583 = arith.constant 16 : index
      %get3A_584 = tpu.vector_load %arg5[%get3A_582, %get3A_583] {strides = array<i32>} : memref<128x96xf32, #tpu.memory_space<vmem>>, vector<1x16xf32>,
      %get3A_585 = vector.shape_cast %get3A_584 : vector<1x16xf32> to vector<16xf32>
      %mul3A_586 = arith.mulf %gather3A_567, %get3A_585 : vector<16xf32>
      %add3A_587 = arith.addf %add3A_523, %mul3A_586 : vector<16xf32>
      %mul3A_588 = arith.constant 16 : i32
      %mul3A_589 = arith.muli %scan3A_298, %mul3A_588 : i32
      %add3A_590 = arith.constant 4 : i32
      %add3A_591 = arith.addi %mul3A_589, %add3A_590 : i32
      %get3A_592 = arith.index_cast %add3A_591 : i32 to index
      %get3A_593 = arith.constant 32 : index
      %get3A_594 = tpu.vector_load %arg5[%get3A_592, %get3A_593] {strides = array<i32>} : memref<128x96xf32, #tpu.memory_space<vmem>>, vector<1x16xf32>,
      %get3A_595 = vector.shape_cast %get3A_594 : vector<1x16xf32> to vector<16xf32>
      %mul3A_596 = arith.mulf %gather3A_567, %get3A_595 : vector<16xf32>
      %add3A_597 = arith.addf %add3A_533, %mul3A_596 : vector<16xf32>
      %mul3A_598 = arith.constant 16 : i32
      %mul3A_599 = arith.muli %scan3A_298, %mul3A_598 : i32
      %add3A_600 = arith.constant 4 : i32
      %add3A_601 = arith.addi %mul3A_599, %add3A_600 : i32
      %get3A_602 = arith.index_cast %add3A_601 : i32 to index
      %get3A_603 = arith.constant 48 : index
      %get3A_604 = tpu.vector_load %arg5[%get3A_602, %get3A_603] {strides = array<i32>} : memref<128x96xf32, #tpu.memory_space<vmem>>, vector<1x16xf32>,
      %get3A_605 = vector.shape_cast %get3A_604 : vector<1x16xf32> to vector<16xf32>
      %mul3A_606 = arith.mulf %gather3A_567, %get3A_605 : vector<16xf32>
      %add3A_607 = arith.addf %add3A_543, %mul3A_606 : vector<16xf32>
      %mul3A_608 = arith.constant 16 : i32
      %mul3A_609 = arith.muli %scan3A_298, %mul3A_608 : i32
      %add3A_610 = arith.constant 4 : i32
      %add3A_611 = arith.addi %mul3A_609, %add3A_610 : i32
      %get3A_612 = arith.index_cast %add3A_611 : i32 to index
      %get3A_613 = arith.constant 64 : index
      %get3A_614 = tpu.vector_load %arg5[%get3A_612, %get3A_613] {strides = array<i32>} : memref<128x96xf32, #tpu.memory_space<vmem>>, vector<1x16xf32>,
      %get3A_615 = vector.shape_cast %get3A_614 : vector<1x16xf32> to vector<16xf32>
      %mul3A_616 = arith.mulf %gather3A_567, %get3A_615 : vector<16xf32>
      %add3A_617 = arith.addf %add3A_553, %mul3A_616 : vector<16xf32>
      %mul3A_618 = arith.constant 16 : i32
      %mul3A_619 = arith.muli %scan3A_298, %mul3A_618 : i32
      %add3A_620 = arith.constant 4 : i32
      %add3A_621 = arith.addi %mul3A_619, %add3A_620 : i32
      %get3A_622 = arith.index_cast %add3A_621 : i32 to index
      %get3A_623 = arith.constant 80 : index
      %get3A_624 = tpu.vector_load %arg5[%get3A_622, %get3A_623] {strides = array<i32>} : memref<128x96xf32, #tpu.memory_space<vmem>>, vector<1x16xf32>,
      %get3A_625 = vector.shape_cast %get3A_624 : vector<1x16xf32> to vector<16xf32>
      %mul3A_626 = arith.mulf %gather3A_567, %get3A_625 : vector<16xf32>
      %add3A_627 = arith.addf %add3A_563, %mul3A_626 : vector<16xf32>
      %broadcast_in_dim3A_628 = arith.constant 5 : i32
      %broadcast_in_dim3A_629 = vector.broadcast %broadcast_in_dim3A_628 : i32 to vector<16x1xi32>
      %gather3A_630 = vector.shape_cast %broadcast_in_dim3A_629 : vector<16x1xi32> to vector<16xi32>
      %gather3A_631 = tpu.dynamic_gather %get3A_308[%gather3A_630] in [0] : vector<16xf32>, vector<16xi32> -> vector<16xf32>
      %mul3A_632 = arith.constant 16 : i32
      %mul3A_633 = arith.muli %scan3A_298, %mul3A_632 : i32
      %add3A_634 = arith.constant 5 : i32
      %add3A_635 = arith.addi %mul3A_633, %add3A_634 : i32
      %get3A_636 = arith.index_cast %add3A_635 : i32 to index
      %get3A_637 = arith.constant 0 : index
      %get3A_638 = tpu.vector_load %arg5[%get3A_636, %get3A_637] {strides = array<i32>} : memref<128x96xf32, #tpu.memory_space<vmem>>, vector<1x16xf32>,
      %get3A_639 = vector.shape_cast %get3A_638 : vector<1x16xf32> to vector<16xf32>
      %mul3A_640 = arith.mulf %gather3A_631, %get3A_639 : vector<16xf32>
      %add3A_641 = arith.addf %add3A_577, %mul3A_640 : vector<16xf32>
      %mul3A_642 = arith.constant 16 : i32
      %mul3A_643 = arith.muli %scan3A_298, %mul3A_642 : i32
      %add3A_644 = arith.constant 5 : i32
      %add3A_645 = arith.addi %mul3A_643, %add3A_644 : i32
      %get3A_646 = arith.index_cast %add3A_645 : i32 to index
      %get3A_647 = arith.constant 16 : index
      %get3A_648 = tpu.vector_load %arg5[%get3A_646, %get3A_647] {strides = array<i32>} : memref<128x96xf32, #tpu.memory_space<vmem>>, vector<1x16xf32>,
      %get3A_649 = vector.shape_cast %get3A_648 : vector<1x16xf32> to vector<16xf32>
      %mul3A_650 = arith.mulf %gather3A_631, %get3A_649 : vector<16xf32>
      %add3A_651 = arith.addf %add3A_587, %mul3A_650 : vector<16xf32>
      %mul3A_652 = arith.constant 16 : i32
      %mul3A_653 = arith.muli %scan3A_298, %mul3A_652 : i32
      %add3A_654 = arith.constant 5 : i32
      %add3A_655 = arith.addi %mul3A_653, %add3A_654 : i32
      %get3A_656 = arith.index_cast %add3A_655 : i32 to index
      %get3A_657 = arith.constant 32 : index
      %get3A_658 = tpu.vector_load %arg5[%get3A_656, %get3A_657] {strides = array<i32>} : memref<128x96xf32, #tpu.memory_space<vmem>>, vector<1x16xf32>,
      %get3A_659 = vector.shape_cast %get3A_658 : vector<1x16xf32> to vector<16xf32>
      %mul3A_660 = arith.mulf %gather3A_631, %get3A_659 : vector<16xf32>
      %add3A_661 = arith.addf %add3A_597, %mul3A_660 : vector<16xf32>
      %mul3A_662 = arith.constant 16 : i32
      %mul3A_663 = arith.muli %scan3A_298, %mul3A_662 : i32
      %add3A_664 = arith.constant 5 : i32
      %add3A_665 = arith.addi %mul3A_663, %add3A_664 : i32
      %get3A_666 = arith.index_cast %add3A_665 : i32 to index
      %get3A_667 = arith.constant 48 : index
      %get3A_668 = tpu.vector_load %arg5[%get3A_666, %get3A_667] {strides = array<i32>} : memref<128x96xf32, #tpu.memory_space<vmem>>, vector<1x16xf32>,
      %get3A_669 = vector.shape_cast %get3A_668 : vector<1x16xf32> to vector<16xf32>
      %mul3A_670 = arith.mulf %gather3A_631, %get3A_669 : vector<16xf32>
      %add3A_671 = arith.addf %add3A_607, %mul3A_670 : vector<16xf32>
      %mul3A_672 = arith.constant 16 : i32
      %mul3A_673 = arith.muli %scan3A_298, %mul3A_672 : i32
      %add3A_674 = arith.constant 5 : i32
      %add3A_675 = arith.addi %mul3A_673, %add3A_674 : i32
      %get3A_676 = arith.index_cast %add3A_675 : i32 to index
      %get3A_677 = arith.constant 64 : index
      %get3A_678 = tpu.vector_load %arg5[%get3A_676, %get3A_677] {strides = array<i32>} : memref<128x96xf32, #tpu.memory_space<vmem>>, vector<1x16xf32>,
      %get3A_679 = vector.shape_cast %get3A_678 : vector<1x16xf32> to vector<16xf32>
      %mul3A_680 = arith.mulf %gather3A_631, %get3A_679 : vector<16xf32>
      %add3A_681 = arith.addf %add3A_617, %mul3A_680 : vector<16xf32>
      %mul3A_682 = arith.constant 16 : i32
      %mul3A_683 = arith.muli %scan3A_298, %mul3A_682 : i32
      %add3A_684 = arith.constant 5 : i32
      %add3A_685 = arith.addi %mul3A_683, %add3A_684 : i32
      %get3A_686 = arith.index_cast %add3A_685 : i32 to index
      %get3A_687 = arith.constant 80 : index
      %get3A_688 = tpu.vector_load %arg5[%get3A_686, %get3A_687] {strides = array<i32>} : memref<128x96xf32, #tpu.memory_space<vmem>>, vector<1x16xf32>,
      %get3A_689 = vector.shape_cast %get3A_688 : vector<1x16xf32> to vector<16xf32>
      %mul3A_690 = arith.mulf %gather3A_631, %get3A_689 : vector<16xf32>
      %add3A_691 = arith.addf %add3A_627, %mul3A_690 : vector<16xf32>
      %broadcast_in_dim3A_692 = arith.constant 6 : i32
      %broadcast_in_dim3A_693 = vector.broadcast %broadcast_in_dim3A_692 : i32 to vector<16x1xi32>
      %gather3A_694 = vector.shape_cast %broadcast_in_dim3A_693 : vector<16x1xi32> to vector<16xi32>
      %gather3A_695 = tpu.dynamic_gather %get3A_308[%gather3A_694] in [0] : vector<16xf32>, vector<16xi32> -> vector<16xf32>
      %mul3A_696 = arith.constant 16 : i32
      %mul3A_697 = arith.muli %scan3A_298, %mul3A_696 : i32
      %add3A_698 = arith.constant 6 : i32
      %add3A_699 = arith.addi %mul3A_697, %add3A_698 : i32
      %get3A_700 = arith.index_cast %add3A_699 : i32 to index
      %get3A_701 = arith.constant 0 : index
      %get3A_702 = tpu.vector_load %arg5[%get3A_700, %get3A_701] {strides = array<i32>} : memref<128x96xf32, #tpu.memory_space<vmem>>, vector<1x16xf32>,
      %get3A_703 = vector.shape_cast %get3A_702 : vector<1x16xf32> to vector<16xf32>
      %mul3A_704 = arith.mulf %gather3A_695, %get3A_703 : vector<16xf32>
      %add3A_705 = arith.addf %add3A_641, %mul3A_704 : vector<16xf32>
      %mul3A_706 = arith.constant 16 : i32
      %mul3A_707 = arith.muli %scan3A_298, %mul3A_706 : i32
      %add3A_708 = arith.constant 6 : i32
      %add3A_709 = arith.addi %mul3A_707, %add3A_708 : i32
      %get3A_710 = arith.index_cast %add3A_709 : i32 to index
      %get3A_711 = arith.constant 16 : index
      %get3A_712 = tpu.vector_load %arg5[%get3A_710, %get3A_711] {strides = array<i32>} : memref<128x96xf32, #tpu.memory_space<vmem>>, vector<1x16xf32>,
      %get3A_713 = vector.shape_cast %get3A_712 : vector<1x16xf32> to vector<16xf32>
      %mul3A_714 = arith.mulf %gather3A_695, %get3A_713 : vector<16xf32>
      %add3A_715 = arith.addf %add3A_651, %mul3A_714 : vector<16xf32>
      %mul3A_716 = arith.constant 16 : i32
      %mul3A_717 = arith.muli %scan3A_298, %mul3A_716 : i32
      %add3A_718 = arith.constant 6 : i32
      %add3A_719 = arith.addi %mul3A_717, %add3A_718 : i32
      %get3A_720 = arith.index_cast %add3A_719 : i32 to index
      %get3A_721 = arith.constant 32 : index
      %get3A_722 = tpu.vector_load %arg5[%get3A_720, %get3A_721] {strides = array<i32>} : memref<128x96xf32, #tpu.memory_space<vmem>>, vector<1x16xf32>,
      %get3A_723 = vector.shape_cast %get3A_722 : vector<1x16xf32> to vector<16xf32>
      %mul3A_724 = arith.mulf %gather3A_695, %get3A_723 : vector<16xf32>
      %add3A_725 = arith.addf %add3A_661, %mul3A_724 : vector<16xf32>
      %mul3A_726 = arith.constant 16 : i32
      %mul3A_727 = arith.muli %scan3A_298, %mul3A_726 : i32
      %add3A_728 = arith.constant 6 : i32
      %add3A_729 = arith.addi %mul3A_727, %add3A_728 : i32
      %get3A_730 = arith.index_cast %add3A_729 : i32 to index
      %get3A_731 = arith.constant 48 : index
      %get3A_732 = tpu.vector_load %arg5[%get3A_730, %get3A_731] {strides = array<i32>} : memref<128x96xf32, #tpu.memory_space<vmem>>, vector<1x16xf32>,
      %get3A_733 = vector.shape_cast %get3A_732 : vector<1x16xf32> to vector<16xf32>
      %mul3A_734 = arith.mulf %gather3A_695, %get3A_733 : vector<16xf32>
      %add3A_735 = arith.addf %add3A_671, %mul3A_734 : vector<16xf32>
      %mul3A_736 = arith.constant 16 : i32
      %mul3A_737 = arith.muli %scan3A_298, %mul3A_736 : i32
      %add3A_738 = arith.constant 6 : i32
      %add3A_739 = arith.addi %mul3A_737, %add3A_738 : i32
      %get3A_740 = arith.index_cast %add3A_739 : i32 to index
      %get3A_741 = arith.constant 64 : index
      %get3A_742 = tpu.vector_load %arg5[%get3A_740, %get3A_741] {strides = array<i32>} : memref<128x96xf32, #tpu.memory_space<vmem>>, vector<1x16xf32>,
      %get3A_743 = vector.shape_cast %get3A_742 : vector<1x16xf32> to vector<16xf32>
      %mul3A_744 = arith.mulf %gather3A_695, %get3A_743 : vector<16xf32>
      %add3A_745 = arith.addf %add3A_681, %mul3A_744 : vector<16xf32>
      %mul3A_746 = arith.constant 16 : i32
      %mul3A_747 = arith.muli %scan3A_298, %mul3A_746 : i32
      %add3A_748 = arith.constant 6 : i32
      %add3A_749 = arith.addi %mul3A_747, %add3A_748 : i32
      %get3A_750 = arith.index_cast %add3A_749 : i32 to index
      %get3A_751 = arith.constant 80 : index
      %get3A_752 = tpu.vector_load %arg5[%get3A_750, %get3A_751] {strides = array<i32>} : memref<128x96xf32, #tpu.memory_space<vmem>>, vector<1x16xf32>,
      %get3A_753 = vector.shape_cast %get3A_752 : vector<1x16xf32> to vector<16xf32>
      %mul3A_754 = arith.mulf %gather3A_695, %get3A_753 : vector<16xf32>
      %add3A_755 = arith.addf %add3A_691, %mul3A_754 : vector<16xf32>
      %broadcast_in_dim3A_756 = arith.constant 7 : i32
      %broadcast_in_dim3A_757 = vector.broadcast %broadcast_in_dim3A_756 : i32 to vector<16x1xi32>
      %gather3A_758 = vector.shape_cast %broadcast_in_dim3A_757 : vector<16x1xi32> to vector<16xi32>
      %gather3A_759 = tpu.dynamic_gather %get3A_308[%gather3A_758] in [0] : vector<16xf32>, vector<16xi32> -> vector<16xf32>
      %mul3A_760 = arith.constant 16 : i32
      %mul3A_761 = arith.muli %scan3A_298, %mul3A_760 : i32
      %add3A_762 = arith.constant 7 : i32
      %add3A_763 = arith.addi %mul3A_761, %add3A_762 : i32
      %get3A_764 = arith.index_cast %add3A_763 : i32 to index
      %get3A_765 = arith.constant 0 : index
      %get3A_766 = tpu.vector_load %arg5[%get3A_764, %get3A_765] {strides = array<i32>} : memref<128x96xf32, #tpu.memory_space<vmem>>, vector<1x16xf32>,
      %get3A_767 = vector.shape_cast %get3A_766 : vector<1x16xf32> to vector<16xf32>
      %mul3A_768 = arith.mulf %gather3A_759, %get3A_767 : vector<16xf32>
      %add3A_769 = arith.addf %add3A_705, %mul3A_768 : vector<16xf32>
      %mul3A_770 = arith.constant 16 : i32
      %mul3A_771 = arith.muli %scan3A_298, %mul3A_770 : i32
      %add3A_772 = arith.constant 7 : i32
      %add3A_773 = arith.addi %mul3A_771, %add3A_772 : i32
      %get3A_774 = arith.index_cast %add3A_773 : i32 to index
      %get3A_775 = arith.constant 16 : index
      %get3A_776 = tpu.vector_load %arg5[%get3A_774, %get3A_775] {strides = array<i32>} : memref<128x96xf32, #tpu.memory_space<vmem>>, vector<1x16xf32>,
      %get3A_777 = vector.shape_cast %get3A_776 : vector<1x16xf32> to vector<16xf32>
      %mul3A_778 = arith.mulf %gather3A_759, %get3A_777 : vector<16xf32>
      %add3A_779 = arith.addf %add3A_715, %mul3A_778 : vector<16xf32>
      %mul3A_780 = arith.constant 16 : i32
      %mul3A_781 = arith.muli %scan3A_298, %mul3A_780 : i32
      %add3A_782 = arith.constant 7 : i32
      %add3A_783 = arith.addi %mul3A_781, %add3A_782 : i32
      %get3A_784 = arith.index_cast %add3A_783 : i32 to index
      %get3A_785 = arith.constant 32 : index
      %get3A_786 = tpu.vector_load %arg5[%get3A_784, %get3A_785] {strides = array<i32>} : memref<128x96xf32, #tpu.memory_space<vmem>>, vector<1x16xf32>,
      %get3A_787 = vector.shape_cast %get3A_786 : vector<1x16xf32> to vector<16xf32>
      %mul3A_788 = arith.mulf %gather3A_759, %get3A_787 : vector<16xf32>
      %add3A_789 = arith.addf %add3A_725, %mul3A_788 : vector<16xf32>
      %mul3A_790 = arith.constant 16 : i32
      %mul3A_791 = arith.muli %scan3A_298, %mul3A_790 : i32
      %add3A_792 = arith.constant 7 : i32
      %add3A_793 = arith.addi %mul3A_791, %add3A_792 : i32
      %get3A_794 = arith.index_cast %add3A_793 : i32 to index
      %get3A_795 = arith.constant 48 : index
      %get3A_796 = tpu.vector_load %arg5[%get3A_794, %get3A_795] {strides = array<i32>} : memref<128x96xf32, #tpu.memory_space<vmem>>, vector<1x16xf32>,
      %get3A_797 = vector.shape_cast %get3A_796 : vector<1x16xf32> to vector<16xf32>
      %mul3A_798 = arith.mulf %gather3A_759, %get3A_797 : vector<16xf32>
      %add3A_799 = arith.addf %add3A_735, %mul3A_798 : vector<16xf32>
      %mul3A_800 = arith.constant 16 : i32
      %mul3A_801 = arith.muli %scan3A_298, %mul3A_800 : i32
      %add3A_802 = arith.constant 7 : i32
      %add3A_803 = arith.addi %mul3A_801, %add3A_802 : i32
      %get3A_804 = arith.index_cast %add3A_803 : i32 to index
      %get3A_805 = arith.constant 64 : index
      %get3A_806 = tpu.vector_load %arg5[%get3A_804, %get3A_805] {strides = array<i32>} : memref<128x96xf32, #tpu.memory_space<vmem>>, vector<1x16xf32>,
      %get3A_807 = vector.shape_cast %get3A_806 : vector<1x16xf32> to vector<16xf32>
      %mul3A_808 = arith.mulf %gather3A_759, %get3A_807 : vector<16xf32>
      %add3A_809 = arith.addf %add3A_745, %mul3A_808 : vector<16xf32>
      %mul3A_810 = arith.constant 16 : i32
      %mul3A_811 = arith.muli %scan3A_298, %mul3A_810 : i32
      %add3A_812 = arith.constant 7 : i32
      %add3A_813 = arith.addi %mul3A_811, %add3A_812 : i32
      %get3A_814 = arith.index_cast %add3A_813 : i32 to index
      %get3A_815 = arith.constant 80 : index
      %get3A_816 = tpu.vector_load %arg5[%get3A_814, %get3A_815] {strides = array<i32>} : memref<128x96xf32, #tpu.memory_space<vmem>>, vector<1x16xf32>,
      %get3A_817 = vector.shape_cast %get3A_816 : vector<1x16xf32> to vector<16xf32>
      %mul3A_818 = arith.mulf %gather3A_759, %get3A_817 : vector<16xf32>
      %add3A_819 = arith.addf %add3A_755, %mul3A_818 : vector<16xf32>
      %broadcast_in_dim3A_820 = arith.constant 8 : i32
      %broadcast_in_dim3A_821 = vector.broadcast %broadcast_in_dim3A_820 : i32 to vector<16x1xi32>
      %gather3A_822 = vector.shape_cast %broadcast_in_dim3A_821 : vector<16x1xi32> to vector<16xi32>
      %gather3A_823 = tpu.dynamic_gather %get3A_308[%gather3A_822] in [0] : vector<16xf32>, vector<16xi32> -> vector<16xf32>
      %mul3A_824 = arith.constant 16 : i32
      %mul3A_825 = arith.muli %scan3A_298, %mul3A_824 : i32
      %add3A_826 = arith.constant 8 : i32
      %add3A_827 = arith.addi %mul3A_825, %add3A_826 : i32
      %get3A_828 = arith.index_cast %add3A_827 : i32 to index
      %get3A_829 = arith.constant 0 : index
      %get3A_830 = tpu.vector_load %arg5[%get3A_828, %get3A_829] {strides = array<i32>} : memref<128x96xf32, #tpu.memory_space<vmem>>, vector<1x16xf32>,
      %get3A_831 = vector.shape_cast %get3A_830 : vector<1x16xf32> to vector<16xf32>
      %mul3A_832 = arith.mulf %gather3A_823, %get3A_831 : vector<16xf32>
      %add3A_833 = arith.addf %add3A_769, %mul3A_832 : vector<16xf32>
      %mul3A_834 = arith.constant 16 : i32
      %mul3A_835 = arith.muli %scan3A_298, %mul3A_834 : i32
      %add3A_836 = arith.constant 8 : i32
      %add3A_837 = arith.addi %mul3A_835, %add3A_836 : i32
      %get3A_838 = arith.index_cast %add3A_837 : i32 to index
      %get3A_839 = arith.constant 16 : index
      %get3A_840 = tpu.vector_load %arg5[%get3A_838, %get3A_839] {strides = array<i32>} : memref<128x96xf32, #tpu.memory_space<vmem>>, vector<1x16xf32>,
      %get3A_841 = vector.shape_cast %get3A_840 : vector<1x16xf32> to vector<16xf32>
      %mul3A_842 = arith.mulf %gather3A_823, %get3A_841 : vector<16xf32>
      %add3A_843 = arith.addf %add3A_779, %mul3A_842 : vector<16xf32>
      %mul3A_844 = arith.constant 16 : i32
      %mul3A_845 = arith.muli %scan3A_298, %mul3A_844 : i32
      %add3A_846 = arith.constant 8 : i32
      %add3A_847 = arith.addi %mul3A_845, %add3A_846 : i32
      %get3A_848 = arith.index_cast %add3A_847 : i32 to index
      %get3A_849 = arith.constant 32 : index
      %get3A_850 = tpu.vector_load %arg5[%get3A_848, %get3A_849] {strides = array<i32>} : memref<128x96xf32, #tpu.memory_space<vmem>>, vector<1x16xf32>,
      %get3A_851 = vector.shape_cast %get3A_850 : vector<1x16xf32> to vector<16xf32>
      %mul3A_852 = arith.mulf %gather3A_823, %get3A_851 : vector<16xf32>
      %add3A_853 = arith.addf %add3A_789, %mul3A_852 : vector<16xf32>
      %mul3A_854 = arith.constant 16 : i32
      %mul3A_855 = arith.muli %scan3A_298, %mul3A_854 : i32
      %add3A_856 = arith.constant 8 : i32
      %add3A_857 = arith.addi %mul3A_855, %add3A_856 : i32
      %get3A_858 = arith.index_cast %add3A_857 : i32 to index
      %get3A_859 = arith.constant 48 : index
      %get3A_860 = tpu.vector_load %arg5[%get3A_858, %get3A_859] {strides = array<i32>} : memref<128x96xf32, #tpu.memory_space<vmem>>, vector<1x16xf32>,
      %get3A_861 = vector.shape_cast %get3A_860 : vector<1x16xf32> to vector<16xf32>
      %mul3A_862 = arith.mulf %gather3A_823, %get3A_861 : vector<16xf32>
      %add3A_863 = arith.addf %add3A_799, %mul3A_862 : vector<16xf32>
      %mul3A_864 = arith.constant 16 : i32
      %mul3A_865 = arith.muli %scan3A_298, %mul3A_864 : i32
      %add3A_866 = arith.constant 8 : i32
      %add3A_867 = arith.addi %mul3A_865, %add3A_866 : i32
      %get3A_868 = arith.index_cast %add3A_867 : i32 to index
      %get3A_869 = arith.constant 64 : index
      %get3A_870 = tpu.vector_load %arg5[%get3A_868, %get3A_869] {strides = array<i32>} : memref<128x96xf32, #tpu.memory_space<vmem>>, vector<1x16xf32>,
      %get3A_871 = vector.shape_cast %get3A_870 : vector<1x16xf32> to vector<16xf32>
      %mul3A_872 = arith.mulf %gather3A_823, %get3A_871 : vector<16xf32>
      %add3A_873 = arith.addf %add3A_809, %mul3A_872 : vector<16xf32>
      %mul3A_874 = arith.constant 16 : i32
      %mul3A_875 = arith.muli %scan3A_298, %mul3A_874 : i32
      %add3A_876 = arith.constant 8 : i32
      %add3A_877 = arith.addi %mul3A_875, %add3A_876 : i32
      %get3A_878 = arith.index_cast %add3A_877 : i32 to index
      %get3A_879 = arith.constant 80 : index
      %get3A_880 = tpu.vector_load %arg5[%get3A_878, %get3A_879] {strides = array<i32>} : memref<128x96xf32, #tpu.memory_space<vmem>>, vector<1x16xf32>,
      %get3A_881 = vector.shape_cast %get3A_880 : vector<1x16xf32> to vector<16xf32>
      %mul3A_882 = arith.mulf %gather3A_823, %get3A_881 : vector<16xf32>
      %add3A_883 = arith.addf %add3A_819, %mul3A_882 : vector<16xf32>
      %broadcast_in_dim3A_884 = arith.constant 9 : i32
      %broadcast_in_dim3A_885 = vector.broadcast %broadcast_in_dim3A_884 : i32 to vector<16x1xi32>
      %gather3A_886 = vector.shape_cast %broadcast_in_dim3A_885 : vector<16x1xi32> to vector<16xi32>
      %gather3A_887 = tpu.dynamic_gather %get3A_308[%gather3A_886] in [0] : vector<16xf32>, vector<16xi32> -> vector<16xf32>
      %mul3A_888 = arith.constant 16 : i32
      %mul3A_889 = arith.muli %scan3A_298, %mul3A_888 : i32
      %add3A_890 = arith.constant 9 : i32
      %add3A_891 = arith.addi %mul3A_889, %add3A_890 : i32
      %get3A_892 = arith.index_cast %add3A_891 : i32 to index
      %get3A_893 = arith.constant 0 : index
      %get3A_894 = tpu.vector_load %arg5[%get3A_892, %get3A_893] {strides = array<i32>} : memref<128x96xf32, #tpu.memory_space<vmem>>, vector<1x16xf32>,
      %get3A_895 = vector.shape_cast %get3A_894 : vector<1x16xf32> to vector<16xf32>
      %mul3A_896 = arith.mulf %gather3A_887, %get3A_895 : vector<16xf32>
      %add3A_897 = arith.addf %add3A_833, %mul3A_896 : vector<16xf32>
      %mul3A_898 = arith.constant 16 : i32
      %mul3A_899 = arith.muli %scan3A_298, %mul3A_898 : i32
      %add3A_900 = arith.constant 9 : i32
      %add3A_901 = arith.addi %mul3A_899, %add3A_900 : i32
      %get3A_902 = arith.index_cast %add3A_901 : i32 to index
      %get3A_903 = arith.constant 16 : index
      %get3A_904 = tpu.vector_load %arg5[%get3A_902, %get3A_903] {strides = array<i32>} : memref<128x96xf32, #tpu.memory_space<vmem>>, vector<1x16xf32>,
      %get3A_905 = vector.shape_cast %get3A_904 : vector<1x16xf32> to vector<16xf32>
      %mul3A_906 = arith.mulf %gather3A_887, %get3A_905 : vector<16xf32>
      %add3A_907 = arith.addf %add3A_843, %mul3A_906 : vector<16xf32>
      %mul3A_908 = arith.constant 16 : i32
      %mul3A_909 = arith.muli %scan3A_298, %mul3A_908 : i32
      %add3A_910 = arith.constant 9 : i32
      %add3A_911 = arith.addi %mul3A_909, %add3A_910 : i32
      %get3A_912 = arith.index_cast %add3A_911 : i32 to index
      %get3A_913 = arith.constant 32 : index
      %get3A_914 = tpu.vector_load %arg5[%get3A_912, %get3A_913] {strides = array<i32>} : memref<128x96xf32, #tpu.memory_space<vmem>>, vector<1x16xf32>,
      %get3A_915 = vector.shape_cast %get3A_914 : vector<1x16xf32> to vector<16xf32>
      %mul3A_916 = arith.mulf %gather3A_887, %get3A_915 : vector<16xf32>
      %add3A_917 = arith.addf %add3A_853, %mul3A_916 : vector<16xf32>
      %mul3A_918 = arith.constant 16 : i32
      %mul3A_919 = arith.muli %scan3A_298, %mul3A_918 : i32
      %add3A_920 = arith.constant 9 : i32
      %add3A_921 = arith.addi %mul3A_919, %add3A_920 : i32
      %get3A_922 = arith.index_cast %add3A_921 : i32 to index
      %get3A_923 = arith.constant 48 : index
      %get3A_924 = tpu.vector_load %arg5[%get3A_922, %get3A_923] {strides = array<i32>} : memref<128x96xf32, #tpu.memory_space<vmem>>, vector<1x16xf32>,
      %get3A_925 = vector.shape_cast %get3A_924 : vector<1x16xf32> to vector<16xf32>
      %mul3A_926 = arith.mulf %gather3A_887, %get3A_925 : vector<16xf32>
      %add3A_927 = arith.addf %add3A_863, %mul3A_926 : vector<16xf32>
      %mul3A_928 = arith.constant 16 : i32
      %mul3A_929 = arith.muli %scan3A_298, %mul3A_928 : i32
      %add3A_930 = arith.constant 9 : i32
      %add3A_931 = arith.addi %mul3A_929, %add3A_930 : i32
      %get3A_932 = arith.index_cast %add3A_931 : i32 to index
      %get3A_933 = arith.constant 64 : index
      %get3A_934 = tpu.vector_load %arg5[%get3A_932, %get3A_933] {strides = array<i32>} : memref<128x96xf32, #tpu.memory_space<vmem>>, vector<1x16xf32>,
      %get3A_935 = vector.shape_cast %get3A_934 : vector<1x16xf32> to vector<16xf32>
      %mul3A_936 = arith.mulf %gather3A_887, %get3A_935 : vector<16xf32>
      %add3A_937 = arith.addf %add3A_873, %mul3A_936 : vector<16xf32>
      %mul3A_938 = arith.constant 16 : i32
      %mul3A_939 = arith.muli %scan3A_298, %mul3A_938 : i32
      %add3A_940 = arith.constant 9 : i32
      %add3A_941 = arith.addi %mul3A_939, %add3A_940 : i32
      %get3A_942 = arith.index_cast %add3A_941 : i32 to index
      %get3A_943 = arith.constant 80 : index
      %get3A_944 = tpu.vector_load %arg5[%get3A_942, %get3A_943] {strides = array<i32>} : memref<128x96xf32, #tpu.memory_space<vmem>>, vector<1x16xf32>,
      %get3A_945 = vector.shape_cast %get3A_944 : vector<1x16xf32> to vector<16xf32>
      %mul3A_946 = arith.mulf %gather3A_887, %get3A_945 : vector<16xf32>
      %add3A_947 = arith.addf %add3A_883, %mul3A_946 : vector<16xf32>
      %broadcast_in_dim3A_948 = arith.constant 10 : i32
      %broadcast_in_dim3A_949 = vector.broadcast %broadcast_in_dim3A_948 : i32 to vector<16x1xi32>
      %gather3A_950 = vector.shape_cast %broadcast_in_dim3A_949 : vector<16x1xi32> to vector<16xi32>
      %gather3A_951 = tpu.dynamic_gather %get3A_308[%gather3A_950] in [0] : vector<16xf32>, vector<16xi32> -> vector<16xf32>
      %mul3A_952 = arith.constant 16 : i32
      %mul3A_953 = arith.muli %scan3A_298, %mul3A_952 : i32
      %add3A_954 = arith.constant 10 : i32
      %add3A_955 = arith.addi %mul3A_953, %add3A_954 : i32
      %get3A_956 = arith.index_cast %add3A_955 : i32 to index
      %get3A_957 = arith.constant 0 : index
      %get3A_958 = tpu.vector_load %arg5[%get3A_956, %get3A_957] {strides = array<i32>} : memref<128x96xf32, #tpu.memory_space<vmem>>, vector<1x16xf32>,
      %get3A_959 = vector.shape_cast %get3A_958 : vector<1x16xf32> to vector<16xf32>
      %mul3A_960 = arith.mulf %gather3A_951, %get3A_959 : vector<16xf32>
      %add3A_961 = arith.addf %add3A_897, %mul3A_960 : vector<16xf32>
      %mul3A_962 = arith.constant 16 : i32
      %mul3A_963 = arith.muli %scan3A_298, %mul3A_962 : i32
      %add3A_964 = arith.constant 10 : i32
      %add3A_965 = arith.addi %mul3A_963, %add3A_964 : i32
      %get3A_966 = arith.index_cast %add3A_965 : i32 to index
      %get3A_967 = arith.constant 16 : index
      %get3A_968 = tpu.vector_load %arg5[%get3A_966, %get3A_967] {strides = array<i32>} : memref<128x96xf32, #tpu.memory_space<vmem>>, vector<1x16xf32>,
      %get3A_969 = vector.shape_cast %get3A_968 : vector<1x16xf32> to vector<16xf32>
      %mul3A_970 = arith.mulf %gather3A_951, %get3A_969 : vector<16xf32>
      %add3A_971 = arith.addf %add3A_907, %mul3A_970 : vector<16xf32>
      %mul3A_972 = arith.constant 16 : i32
      %mul3A_973 = arith.muli %scan3A_298, %mul3A_972 : i32
      %add3A_974 = arith.constant 10 : i32
      %add3A_975 = arith.addi %mul3A_973, %add3A_974 : i32
      %get3A_976 = arith.index_cast %add3A_975 : i32 to index
      %get3A_977 = arith.constant 32 : index
      %get3A_978 = tpu.vector_load %arg5[%get3A_976, %get3A_977] {strides = array<i32>} : memref<128x96xf32, #tpu.memory_space<vmem>>, vector<1x16xf32>,
      %get3A_979 = vector.shape_cast %get3A_978 : vector<1x16xf32> to vector<16xf32>
      %mul3A_980 = arith.mulf %gather3A_951, %get3A_979 : vector<16xf32>
      %add3A_981 = arith.addf %add3A_917, %mul3A_980 : vector<16xf32>
      %mul3A_982 = arith.constant 16 : i32
      %mul3A_983 = arith.muli %scan3A_298, %mul3A_982 : i32
      %add3A_984 = arith.constant 10 : i32
      %add3A_985 = arith.addi %mul3A_983, %add3A_984 : i32
      %get3A_986 = arith.index_cast %add3A_985 : i32 to index
      %get3A_987 = arith.constant 48 : index
      %get3A_988 = tpu.vector_load %arg5[%get3A_986, %get3A_987] {strides = array<i32>} : memref<128x96xf32, #tpu.memory_space<vmem>>, vector<1x16xf32>,
      %get3A_989 = vector.shape_cast %get3A_988 : vector<1x16xf32> to vector<16xf32>
      %mul3A_990 = arith.mulf %gather3A_951, %get3A_989 : vector<16xf32>
      %add3A_991 = arith.addf %add3A_927, %mul3A_990 : vector<16xf32>
      %mul3A_992 = arith.constant 16 : i32
      %mul3A_993 = arith.muli %scan3A_298, %mul3A_992 : i32
      %add3A_994 = arith.constant 10 : i32
      %add3A_995 = arith.addi %mul3A_993, %add3A_994 : i32
      %get3A_996 = arith.index_cast %add3A_995 : i32 to index
      %get3A_997 = arith.constant 64 : index
      %get3A_998 = tpu.vector_load %arg5[%get3A_996, %get3A_997] {strides = array<i32>} : memref<128x96xf32, #tpu.memory_space<vmem>>, vector<1x16xf32>,
      %get3A_999 = vector.shape_cast %get3A_998 : vector<1x16xf32> to vector<16xf32>
      %mul3A_1000 = arith.mulf %gather3A_951, %get3A_999 : vector<16xf32>
      %add3A_1001 = arith.addf %add3A_937, %mul3A_1000 : vector<16xf32>
      %mul3A_1002 = arith.constant 16 : i32
      %mul3A_1003 = arith.muli %scan3A_298, %mul3A_1002 : i32
      %add3A_1004 = arith.constant 10 : i32
      %add3A_1005 = arith.addi %mul3A_1003, %add3A_1004 : i32
      %get3A_1006 = arith.index_cast %add3A_1005 : i32 to index
      %get3A_1007 = arith.constant 80 : index
      %get3A_1008 = tpu.vector_load %arg5[%get3A_1006, %get3A_1007] {strides = array<i32>} : memref<128x96xf32, #tpu.memory_space<vmem>>, vector<1x16xf32>,
      %get3A_1009 = vector.shape_cast %get3A_1008 : vector<1x16xf32> to vector<16xf32>
      %mul3A_1010 = arith.mulf %gather3A_951, %get3A_1009 : vector<16xf32>
      %add3A_1011 = arith.addf %add3A_947, %mul3A_1010 : vector<16xf32>
      %broadcast_in_dim3A_1012 = arith.constant 11 : i32
      %broadcast_in_dim3A_1013 = vector.broadcast %broadcast_in_dim3A_1012 : i32 to vector<16x1xi32>
      %gather3A_1014 = vector.shape_cast %broadcast_in_dim3A_1013 : vector<16x1xi32> to vector<16xi32>
      %gather3A_1015 = tpu.dynamic_gather %get3A_308[%gather3A_1014] in [0] : vector<16xf32>, vector<16xi32> -> vector<16xf32>
      %mul3A_1016 = arith.constant 16 : i32
      %mul3A_1017 = arith.muli %scan3A_298, %mul3A_1016 : i32
      %add3A_1018 = arith.constant 11 : i32
      %add3A_1019 = arith.addi %mul3A_1017, %add3A_1018 : i32
      %get3A_1020 = arith.index_cast %add3A_1019 : i32 to index
      %get3A_1021 = arith.constant 0 : index
      %get3A_1022 = tpu.vector_load %arg5[%get3A_1020, %get3A_1021] {strides = array<i32>} : memref<128x96xf32, #tpu.memory_space<vmem>>, vector<1x16xf32>,
      %get3A_1023 = vector.shape_cast %get3A_1022 : vector<1x16xf32> to vector<16xf32>
      %mul3A_1024 = arith.mulf %gather3A_1015, %get3A_1023 : vector<16xf32>
      %add3A_1025 = arith.addf %add3A_961, %mul3A_1024 : vector<16xf32>
      %mul3A_1026 = arith.constant 16 : i32
      %mul3A_1027 = arith.muli %scan3A_298, %mul3A_1026 : i32
      %add3A_1028 = arith.constant 11 : i32
      %add3A_1029 = arith.addi %mul3A_1027, %add3A_1028 : i32
      %get3A_1030 = arith.index_cast %add3A_1029 : i32 to index
      %get3A_1031 = arith.constant 16 : index
      %get3A_1032 = tpu.vector_load %arg5[%get3A_1030, %get3A_1031] {strides = array<i32>} : memref<128x96xf32, #tpu.memory_space<vmem>>, vector<1x16xf32>,
      %get3A_1033 = vector.shape_cast %get3A_1032 : vector<1x16xf32> to vector<16xf32>
      %mul3A_1034 = arith.mulf %gather3A_1015, %get3A_1033 : vector<16xf32>
      %add3A_1035 = arith.addf %add3A_971, %mul3A_1034 : vector<16xf32>
      %mul3A_1036 = arith.constant 16 : i32
      %mul3A_1037 = arith.muli %scan3A_298, %mul3A_1036 : i32
      %add3A_1038 = arith.constant 11 : i32
      %add3A_1039 = arith.addi %mul3A_1037, %add3A_1038 : i32
      %get3A_1040 = arith.index_cast %add3A_1039 : i32 to index
      %get3A_1041 = arith.constant 32 : index
      %get3A_1042 = tpu.vector_load %arg5[%get3A_1040, %get3A_1041] {strides = array<i32>} : memref<128x96xf32, #tpu.memory_space<vmem>>, vector<1x16xf32>,
      %get3A_1043 = vector.shape_cast %get3A_1042 : vector<1x16xf32> to vector<16xf32>
      %mul3A_1044 = arith.mulf %gather3A_1015, %get3A_1043 : vector<16xf32>
      %add3A_1045 = arith.addf %add3A_981, %mul3A_1044 : vector<16xf32>
      %mul3A_1046 = arith.constant 16 : i32
      %mul3A_1047 = arith.muli %scan3A_298, %mul3A_1046 : i32
      %add3A_1048 = arith.constant 11 : i32
      %add3A_1049 = arith.addi %mul3A_1047, %add3A_1048 : i32
      %get3A_1050 = arith.index_cast %add3A_1049 : i32 to index
      %get3A_1051 = arith.constant 48 : index
      %get3A_1052 = tpu.vector_load %arg5[%get3A_1050, %get3A_1051] {strides = array<i32>} : memref<128x96xf32, #tpu.memory_space<vmem>>, vector<1x16xf32>,
      %get3A_1053 = vector.shape_cast %get3A_1052 : vector<1x16xf32> to vector<16xf32>
      %mul3A_1054 = arith.mulf %gather3A_1015, %get3A_1053 : vector<16xf32>
      %add3A_1055 = arith.addf %add3A_991, %mul3A_1054 : vector<16xf32>
      %mul3A_1056 = arith.constant 16 : i32
      %mul3A_1057 = arith.muli %scan3A_298, %mul3A_1056 : i32
      %add3A_1058 = arith.constant 11 : i32
      %add3A_1059 = arith.addi %mul3A_1057, %add3A_1058 : i32
      %get3A_1060 = arith.index_cast %add3A_1059 : i32 to index
      %get3A_1061 = arith.constant 64 : index
      %get3A_1062 = tpu.vector_load %arg5[%get3A_1060, %get3A_1061] {strides = array<i32>} : memref<128x96xf32, #tpu.memory_space<vmem>>, vector<1x16xf32>,
      %get3A_1063 = vector.shape_cast %get3A_1062 : vector<1x16xf32> to vector<16xf32>
      %mul3A_1064 = arith.mulf %gather3A_1015, %get3A_1063 : vector<16xf32>
      %add3A_1065 = arith.addf %add3A_1001, %mul3A_1064 : vector<16xf32>
      %mul3A_1066 = arith.constant 16 : i32
      %mul3A_1067 = arith.muli %scan3A_298, %mul3A_1066 : i32
      %add3A_1068 = arith.constant 11 : i32
      %add3A_1069 = arith.addi %mul3A_1067, %add3A_1068 : i32
      %get3A_1070 = arith.index_cast %add3A_1069 : i32 to index
      %get3A_1071 = arith.constant 80 : index
      %get3A_1072 = tpu.vector_load %arg5[%get3A_1070, %get3A_1071] {strides = array<i32>} : memref<128x96xf32, #tpu.memory_space<vmem>>, vector<1x16xf32>,
      %get3A_1073 = vector.shape_cast %get3A_1072 : vector<1x16xf32> to vector<16xf32>
      %mul3A_1074 = arith.mulf %gather3A_1015, %get3A_1073 : vector<16xf32>
      %add3A_1075 = arith.addf %add3A_1011, %mul3A_1074 : vector<16xf32>
      %broadcast_in_dim3A_1076 = arith.constant 12 : i32
      %broadcast_in_dim3A_1077 = vector.broadcast %broadcast_in_dim3A_1076 : i32 to vector<16x1xi32>
      %gather3A_1078 = vector.shape_cast %broadcast_in_dim3A_1077 : vector<16x1xi32> to vector<16xi32>
      %gather3A_1079 = tpu.dynamic_gather %get3A_308[%gather3A_1078] in [0] : vector<16xf32>, vector<16xi32> -> vector<16xf32>
      %mul3A_1080 = arith.constant 16 : i32
      %mul3A_1081 = arith.muli %scan3A_298, %mul3A_1080 : i32
      %add3A_1082 = arith.constant 12 : i32
      %add3A_1083 = arith.addi %mul3A_1081, %add3A_1082 : i32
      %get3A_1084 = arith.index_cast %add3A_1083 : i32 to index
      %get3A_1085 = arith.constant 0 : index
      %get3A_1086 = tpu.vector_load %arg5[%get3A_1084, %get3A_1085] {strides = array<i32>} : memref<128x96xf32, #tpu.memory_space<vmem>>, vector<1x16xf32>,
      %get3A_1087 = vector.shape_cast %get3A_1086 : vector<1x16xf32> to vector<16xf32>
      %mul3A_1088 = arith.mulf %gather3A_1079, %get3A_1087 : vector<16xf32>
      %add3A_1089 = arith.addf %add3A_1025, %mul3A_1088 : vector<16xf32>
      %mul3A_1090 = arith.constant 16 : i32
      %mul3A_1091 = arith.muli %scan3A_298, %mul3A_1090 : i32
      %add3A_1092 = arith.constant 12 : i32
      %add3A_1093 = arith.addi %mul3A_1091, %add3A_1092 : i32
      %get3A_1094 = arith.index_cast %add3A_1093 : i32 to index
      %get3A_1095 = arith.constant 16 : index
      %get3A_1096 = tpu.vector_load %arg5[%get3A_1094, %get3A_1095] {strides = array<i32>} : memref<128x96xf32, #tpu.memory_space<vmem>>, vector<1x16xf32>,
      %get3A_1097 = vector.shape_cast %get3A_1096 : vector<1x16xf32> to vector<16xf32>
      %mul3A_1098 = arith.mulf %gather3A_1079, %get3A_1097 : vector<16xf32>
      %add3A_1099 = arith.addf %add3A_1035, %mul3A_1098 : vector<16xf32>
      %mul3A_1100 = arith.constant 16 : i32
      %mul3A_1101 = arith.muli %scan3A_298, %mul3A_1100 : i32
      %add3A_1102 = arith.constant 12 : i32
      %add3A_1103 = arith.addi %mul3A_1101, %add3A_1102 : i32
      %get3A_1104 = arith.index_cast %add3A_1103 : i32 to index
      %get3A_1105 = arith.constant 32 : index
      %get3A_1106 = tpu.vector_load %arg5[%get3A_1104, %get3A_1105] {strides = array<i32>} : memref<128x96xf32, #tpu.memory_space<vmem>>, vector<1x16xf32>,
      %get3A_1107 = vector.shape_cast %get3A_1106 : vector<1x16xf32> to vector<16xf32>
      %mul3A_1108 = arith.mulf %gather3A_1079, %get3A_1107 : vector<16xf32>
      %add3A_1109 = arith.addf %add3A_1045, %mul3A_1108 : vector<16xf32>
      %mul3A_1110 = arith.constant 16 : i32
      %mul3A_1111 = arith.muli %scan3A_298, %mul3A_1110 : i32
      %add3A_1112 = arith.constant 12 : i32
      %add3A_1113 = arith.addi %mul3A_1111, %add3A_1112 : i32
      %get3A_1114 = arith.index_cast %add3A_1113 : i32 to index
      %get3A_1115 = arith.constant 48 : index
      %get3A_1116 = tpu.vector_load %arg5[%get3A_1114, %get3A_1115] {strides = array<i32>} : memref<128x96xf32, #tpu.memory_space<vmem>>, vector<1x16xf32>,
      %get3A_1117 = vector.shape_cast %get3A_1116 : vector<1x16xf32> to vector<16xf32>
      %mul3A_1118 = arith.mulf %gather3A_1079, %get3A_1117 : vector<16xf32>
      %add3A_1119 = arith.addf %add3A_1055, %mul3A_1118 : vector<16xf32>
      %mul3A_1120 = arith.constant 16 : i32
      %mul3A_1121 = arith.muli %scan3A_298, %mul3A_1120 : i32
      %add3A_1122 = arith.constant 12 : i32
      %add3A_1123 = arith.addi %mul3A_1121, %add3A_1122 : i32
      %get3A_1124 = arith.index_cast %add3A_1123 : i32 to index
      %get3A_1125 = arith.constant 64 : index
      %get3A_1126 = tpu.vector_load %arg5[%get3A_1124, %get3A_1125] {strides = array<i32>} : memref<128x96xf32, #tpu.memory_space<vmem>>, vector<1x16xf32>,
      %get3A_1127 = vector.shape_cast %get3A_1126 : vector<1x16xf32> to vector<16xf32>
      %mul3A_1128 = arith.mulf %gather3A_1079, %get3A_1127 : vector<16xf32>
      %add3A_1129 = arith.addf %add3A_1065, %mul3A_1128 : vector<16xf32>
      %mul3A_1130 = arith.constant 16 : i32
      %mul3A_1131 = arith.muli %scan3A_298, %mul3A_1130 : i32
      %add3A_1132 = arith.constant 12 : i32
      %add3A_1133 = arith.addi %mul3A_1131, %add3A_1132 : i32
      %get3A_1134 = arith.index_cast %add3A_1133 : i32 to index
      %get3A_1135 = arith.constant 80 : index
      %get3A_1136 = tpu.vector_load %arg5[%get3A_1134, %get3A_1135] {strides = array<i32>} : memref<128x96xf32, #tpu.memory_space<vmem>>, vector<1x16xf32>,
      %get3A_1137 = vector.shape_cast %get3A_1136 : vector<1x16xf32> to vector<16xf32>
      %mul3A_1138 = arith.mulf %gather3A_1079, %get3A_1137 : vector<16xf32>
      %add3A_1139 = arith.addf %add3A_1075, %mul3A_1138 : vector<16xf32>
      %broadcast_in_dim3A_1140 = arith.constant 13 : i32
      %broadcast_in_dim3A_1141 = vector.broadcast %broadcast_in_dim3A_1140 : i32 to vector<16x1xi32>
      %gather3A_1142 = vector.shape_cast %broadcast_in_dim3A_1141 : vector<16x1xi32> to vector<16xi32>
      %gather3A_1143 = tpu.dynamic_gather %get3A_308[%gather3A_1142] in [0] : vector<16xf32>, vector<16xi32> -> vector<16xf32>
      %mul3A_1144 = arith.constant 16 : i32
      %mul3A_1145 = arith.muli %scan3A_298, %mul3A_1144 : i32
      %add3A_1146 = arith.constant 13 : i32
      %add3A_1147 = arith.addi %mul3A_1145, %add3A_1146 : i32
      %get3A_1148 = arith.index_cast %add3A_1147 : i32 to index
      %get3A_1149 = arith.constant 0 : index
      %get3A_1150 = tpu.vector_load %arg5[%get3A_1148, %get3A_1149] {strides = array<i32>} : memref<128x96xf32, #tpu.memory_space<vmem>>, vector<1x16xf32>,
      %get3A_1151 = vector.shape_cast %get3A_1150 : vector<1x16xf32> to vector<16xf32>
      %mul3A_1152 = arith.mulf %gather3A_1143, %get3A_1151 : vector<16xf32>
      %add3A_1153 = arith.addf %add3A_1089, %mul3A_1152 : vector<16xf32>
      %mul3A_1154 = arith.constant 16 : i32
      %mul3A_1155 = arith.muli %scan3A_298, %mul3A_1154 : i32
      %add3A_1156 = arith.constant 13 : i32
      %add3A_1157 = arith.addi %mul3A_1155, %add3A_1156 : i32
      %get3A_1158 = arith.index_cast %add3A_1157 : i32 to index
      %get3A_1159 = arith.constant 16 : index
      %get3A_1160 = tpu.vector_load %arg5[%get3A_1158, %get3A_1159] {strides = array<i32>} : memref<128x96xf32, #tpu.memory_space<vmem>>, vector<1x16xf32>,
      %get3A_1161 = vector.shape_cast %get3A_1160 : vector<1x16xf32> to vector<16xf32>
      %mul3A_1162 = arith.mulf %gather3A_1143, %get3A_1161 : vector<16xf32>
      %add3A_1163 = arith.addf %add3A_1099, %mul3A_1162 : vector<16xf32>
      %mul3A_1164 = arith.constant 16 : i32
      %mul3A_1165 = arith.muli %scan3A_298, %mul3A_1164 : i32
      %add3A_1166 = arith.constant 13 : i32
      %add3A_1167 = arith.addi %mul3A_1165, %add3A_1166 : i32
      %get3A_1168 = arith.index_cast %add3A_1167 : i32 to index
      %get3A_1169 = arith.constant 32 : index
      %get3A_1170 = tpu.vector_load %arg5[%get3A_1168, %get3A_1169] {strides = array<i32>} : memref<128x96xf32, #tpu.memory_space<vmem>>, vector<1x16xf32>,
      %get3A_1171 = vector.shape_cast %get3A_1170 : vector<1x16xf32> to vector<16xf32>
      %mul3A_1172 = arith.mulf %gather3A_1143, %get3A_1171 : vector<16xf32>
      %add3A_1173 = arith.addf %add3A_1109, %mul3A_1172 : vector<16xf32>
      %mul3A_1174 = arith.constant 16 : i32
      %mul3A_1175 = arith.muli %scan3A_298, %mul3A_1174 : i32
      %add3A_1176 = arith.constant 13 : i32
      %add3A_1177 = arith.addi %mul3A_1175, %add3A_1176 : i32
      %get3A_1178 = arith.index_cast %add3A_1177 : i32 to index
      %get3A_1179 = arith.constant 48 : index
      %get3A_1180 = tpu.vector_load %arg5[%get3A_1178, %get3A_1179] {strides = array<i32>} : memref<128x96xf32, #tpu.memory_space<vmem>>, vector<1x16xf32>,
      %get3A_1181 = vector.shape_cast %get3A_1180 : vector<1x16xf32> to vector<16xf32>
      %mul3A_1182 = arith.mulf %gather3A_1143, %get3A_1181 : vector<16xf32>
      %add3A_1183 = arith.addf %add3A_1119, %mul3A_1182 : vector<16xf32>
      %mul3A_1184 = arith.constant 16 : i32
      %mul3A_1185 = arith.muli %scan3A_298, %mul3A_1184 : i32
      %add3A_1186 = arith.constant 13 : i32
      %add3A_1187 = arith.addi %mul3A_1185, %add3A_1186 : i32
      %get3A_1188 = arith.index_cast %add3A_1187 : i32 to index
      %get3A_1189 = arith.constant 64 : index
      %get3A_1190 = tpu.vector_load %arg5[%get3A_1188, %get3A_1189] {strides = array<i32>} : memref<128x96xf32, #tpu.memory_space<vmem>>, vector<1x16xf32>,
      %get3A_1191 = vector.shape_cast %get3A_1190 : vector<1x16xf32> to vector<16xf32>
      %mul3A_1192 = arith.mulf %gather3A_1143, %get3A_1191 : vector<16xf32>
      %add3A_1193 = arith.addf %add3A_1129, %mul3A_1192 : vector<16xf32>
      %mul3A_1194 = arith.constant 16 : i32
      %mul3A_1195 = arith.muli %scan3A_298, %mul3A_1194 : i32
      %add3A_1196 = arith.constant 13 : i32
      %add3A_1197 = arith.addi %mul3A_1195, %add3A_1196 : i32
      %get3A_1198 = arith.index_cast %add3A_1197 : i32 to index
      %get3A_1199 = arith.constant 80 : index
      %get3A_1200 = tpu.vector_load %arg5[%get3A_1198, %get3A_1199] {strides = array<i32>} : memref<128x96xf32, #tpu.memory_space<vmem>>, vector<1x16xf32>,
      %get3A_1201 = vector.shape_cast %get3A_1200 : vector<1x16xf32> to vector<16xf32>
      %mul3A_1202 = arith.mulf %gather3A_1143, %get3A_1201 : vector<16xf32>
      %add3A_1203 = arith.addf %add3A_1139, %mul3A_1202 : vector<16xf32>
      %broadcast_in_dim3A_1204 = arith.constant 14 : i32
      %broadcast_in_dim3A_1205 = vector.broadcast %broadcast_in_dim3A_1204 : i32 to vector<16x1xi32>
      %gather3A_1206 = vector.shape_cast %broadcast_in_dim3A_1205 : vector<16x1xi32> to vector<16xi32>
      %gather3A_1207 = tpu.dynamic_gather %get3A_308[%gather3A_1206] in [0] : vector<16xf32>, vector<16xi32> -> vector<16xf32>
      %mul3A_1208 = arith.constant 16 : i32
      %mul3A_1209 = arith.muli %scan3A_298, %mul3A_1208 : i32
      %add3A_1210 = arith.constant 14 : i32
      %add3A_1211 = arith.addi %mul3A_1209, %add3A_1210 : i32
      %get3A_1212 = arith.index_cast %add3A_1211 : i32 to index
      %get3A_1213 = arith.constant 0 : index
      %get3A_1214 = tpu.vector_load %arg5[%get3A_1212, %get3A_1213] {strides = array<i32>} : memref<128x96xf32, #tpu.memory_space<vmem>>, vector<1x16xf32>,
      %get3A_1215 = vector.shape_cast %get3A_1214 : vector<1x16xf32> to vector<16xf32>
      %mul3A_1216 = arith.mulf %gather3A_1207, %get3A_1215 : vector<16xf32>
      %add3A_1217 = arith.addf %add3A_1153, %mul3A_1216 : vector<16xf32>
      %mul3A_1218 = arith.constant 16 : i32
      %mul3A_1219 = arith.muli %scan3A_298, %mul3A_1218 : i32
      %add3A_1220 = arith.constant 14 : i32
      %add3A_1221 = arith.addi %mul3A_1219, %add3A_1220 : i32
      %get3A_1222 = arith.index_cast %add3A_1221 : i32 to index
      %get3A_1223 = arith.constant 16 : index
      %get3A_1224 = tpu.vector_load %arg5[%get3A_1222, %get3A_1223] {strides = array<i32>} : memref<128x96xf32, #tpu.memory_space<vmem>>, vector<1x16xf32>,
      %get3A_1225 = vector.shape_cast %get3A_1224 : vector<1x16xf32> to vector<16xf32>
      %mul3A_1226 = arith.mulf %gather3A_1207, %get3A_1225 : vector<16xf32>
      %add3A_1227 = arith.addf %add3A_1163, %mul3A_1226 : vector<16xf32>
      %mul3A_1228 = arith.constant 16 : i32
      %mul3A_1229 = arith.muli %scan3A_298, %mul3A_1228 : i32
      %add3A_1230 = arith.constant 14 : i32
      %add3A_1231 = arith.addi %mul3A_1229, %add3A_1230 : i32
      %get3A_1232 = arith.index_cast %add3A_1231 : i32 to index
      %get3A_1233 = arith.constant 32 : index
      %get3A_1234 = tpu.vector_load %arg5[%get3A_1232, %get3A_1233] {strides = array<i32>} : memref<128x96xf32, #tpu.memory_space<vmem>>, vector<1x16xf32>,
      %get3A_1235 = vector.shape_cast %get3A_1234 : vector<1x16xf32> to vector<16xf32>
      %mul3A_1236 = arith.mulf %gather3A_1207, %get3A_1235 : vector<16xf32>
      %add3A_1237 = arith.addf %add3A_1173, %mul3A_1236 : vector<16xf32>
      %mul3A_1238 = arith.constant 16 : i32
      %mul3A_1239 = arith.muli %scan3A_298, %mul3A_1238 : i32
      %add3A_1240 = arith.constant 14 : i32
      %add3A_1241 = arith.addi %mul3A_1239, %add3A_1240 : i32
      %get3A_1242 = arith.index_cast %add3A_1241 : i32 to index
      %get3A_1243 = arith.constant 48 : index
      %get3A_1244 = tpu.vector_load %arg5[%get3A_1242, %get3A_1243] {strides = array<i32>} : memref<128x96xf32, #tpu.memory_space<vmem>>, vector<1x16xf32>,
      %get3A_1245 = vector.shape_cast %get3A_1244 : vector<1x16xf32> to vector<16xf32>
      %mul3A_1246 = arith.mulf %gather3A_1207, %get3A_1245 : vector<16xf32>
      %add3A_1247 = arith.addf %add3A_1183, %mul3A_1246 : vector<16xf32>
      %mul3A_1248 = arith.constant 16 : i32
      %mul3A_1249 = arith.muli %scan3A_298, %mul3A_1248 : i32
      %add3A_1250 = arith.constant 14 : i32
      %add3A_1251 = arith.addi %mul3A_1249, %add3A_1250 : i32
      %get3A_1252 = arith.index_cast %add3A_1251 : i32 to index
      %get3A_1253 = arith.constant 64 : index
      %get3A_1254 = tpu.vector_load %arg5[%get3A_1252, %get3A_1253] {strides = array<i32>} : memref<128x96xf32, #tpu.memory_space<vmem>>, vector<1x16xf32>,
      %get3A_1255 = vector.shape_cast %get3A_1254 : vector<1x16xf32> to vector<16xf32>
      %mul3A_1256 = arith.mulf %gather3A_1207, %get3A_1255 : vector<16xf32>
      %add3A_1257 = arith.addf %add3A_1193, %mul3A_1256 : vector<16xf32>
      %mul3A_1258 = arith.constant 16 : i32
      %mul3A_1259 = arith.muli %scan3A_298, %mul3A_1258 : i32
      %add3A_1260 = arith.constant 14 : i32
      %add3A_1261 = arith.addi %mul3A_1259, %add3A_1260 : i32
      %get3A_1262 = arith.index_cast %add3A_1261 : i32 to index
      %get3A_1263 = arith.constant 80 : index
      %get3A_1264 = tpu.vector_load %arg5[%get3A_1262, %get3A_1263] {strides = array<i32>} : memref<128x96xf32, #tpu.memory_space<vmem>>, vector<1x16xf32>,
      %get3A_1265 = vector.shape_cast %get3A_1264 : vector<1x16xf32> to vector<16xf32>
      %mul3A_1266 = arith.mulf %gather3A_1207, %get3A_1265 : vector<16xf32>
      %add3A_1267 = arith.addf %add3A_1203, %mul3A_1266 : vector<16xf32>
      %broadcast_in_dim3A_1268 = arith.constant 15 : i32
      %broadcast_in_dim3A_1269 = vector.broadcast %broadcast_in_dim3A_1268 : i32 to vector<16x1xi32>
      %gather3A_1270 = vector.shape_cast %broadcast_in_dim3A_1269 : vector<16x1xi32> to vector<16xi32>
      %gather3A_1271 = tpu.dynamic_gather %get3A_308[%gather3A_1270] in [0] : vector<16xf32>, vector<16xi32> -> vector<16xf32>
      %mul3A_1272 = arith.constant 16 : i32
      %mul3A_1273 = arith.muli %scan3A_298, %mul3A_1272 : i32
      %add3A_1274 = arith.constant 15 : i32
      %add3A_1275 = arith.addi %mul3A_1273, %add3A_1274 : i32
      %get3A_1276 = arith.index_cast %add3A_1275 : i32 to index
      %get3A_1277 = arith.constant 0 : index
      %get3A_1278 = tpu.vector_load %arg5[%get3A_1276, %get3A_1277] {strides = array<i32>} : memref<128x96xf32, #tpu.memory_space<vmem>>, vector<1x16xf32>,
      %get3A_1279 = vector.shape_cast %get3A_1278 : vector<1x16xf32> to vector<16xf32>
      %mul3A_1280 = arith.mulf %gather3A_1271, %get3A_1279 : vector<16xf32>
      %add3A_1281 = arith.addf %add3A_1217, %mul3A_1280 : vector<16xf32>
      %mul3A_1282 = arith.constant 16 : i32
      %mul3A_1283 = arith.muli %scan3A_298, %mul3A_1282 : i32
      %add3A_1284 = arith.constant 15 : i32
      %add3A_1285 = arith.addi %mul3A_1283, %add3A_1284 : i32
      %get3A_1286 = arith.index_cast %add3A_1285 : i32 to index
      %get3A_1287 = arith.constant 16 : index
      %get3A_1288 = tpu.vector_load %arg5[%get3A_1286, %get3A_1287] {strides = array<i32>} : memref<128x96xf32, #tpu.memory_space<vmem>>, vector<1x16xf32>,
      %get3A_1289 = vector.shape_cast %get3A_1288 : vector<1x16xf32> to vector<16xf32>
      %mul3A_1290 = arith.mulf %gather3A_1271, %get3A_1289 : vector<16xf32>
      %add3A_1291 = arith.addf %add3A_1227, %mul3A_1290 : vector<16xf32>
      %mul3A_1292 = arith.constant 16 : i32
      %mul3A_1293 = arith.muli %scan3A_298, %mul3A_1292 : i32
      %add3A_1294 = arith.constant 15 : i32
      %add3A_1295 = arith.addi %mul3A_1293, %add3A_1294 : i32
      %get3A_1296 = arith.index_cast %add3A_1295 : i32 to index
      %get3A_1297 = arith.constant 32 : index
      %get3A_1298 = tpu.vector_load %arg5[%get3A_1296, %get3A_1297] {strides = array<i32>} : memref<128x96xf32, #tpu.memory_space<vmem>>, vector<1x16xf32>,
      %get3A_1299 = vector.shape_cast %get3A_1298 : vector<1x16xf32> to vector<16xf32>
      %mul3A_1300 = arith.mulf %gather3A_1271, %get3A_1299 : vector<16xf32>
      %add3A_1301 = arith.addf %add3A_1237, %mul3A_1300 : vector<16xf32>
      %mul3A_1302 = arith.constant 16 : i32
      %mul3A_1303 = arith.muli %scan3A_298, %mul3A_1302 : i32
      %add3A_1304 = arith.constant 15 : i32
      %add3A_1305 = arith.addi %mul3A_1303, %add3A_1304 : i32
      %get3A_1306 = arith.index_cast %add3A_1305 : i32 to index
      %get3A_1307 = arith.constant 48 : index
      %get3A_1308 = tpu.vector_load %arg5[%get3A_1306, %get3A_1307] {strides = array<i32>} : memref<128x96xf32, #tpu.memory_space<vmem>>, vector<1x16xf32>,
      %get3A_1309 = vector.shape_cast %get3A_1308 : vector<1x16xf32> to vector<16xf32>
      %mul3A_1310 = arith.mulf %gather3A_1271, %get3A_1309 : vector<16xf32>
      %add3A_1311 = arith.addf %add3A_1247, %mul3A_1310 : vector<16xf32>
      %mul3A_1312 = arith.constant 16 : i32
      %mul3A_1313 = arith.muli %scan3A_298, %mul3A_1312 : i32
      %add3A_1314 = arith.constant 15 : i32
      %add3A_1315 = arith.addi %mul3A_1313, %add3A_1314 : i32
      %get3A_1316 = arith.index_cast %add3A_1315 : i32 to index
      %get3A_1317 = arith.constant 64 : index
      %get3A_1318 = tpu.vector_load %arg5[%get3A_1316, %get3A_1317] {strides = array<i32>} : memref<128x96xf32, #tpu.memory_space<vmem>>, vector<1x16xf32>,
      %get3A_1319 = vector.shape_cast %get3A_1318 : vector<1x16xf32> to vector<16xf32>
      %mul3A_1320 = arith.mulf %gather3A_1271, %get3A_1319 : vector<16xf32>
      %add3A_1321 = arith.addf %add3A_1257, %mul3A_1320 : vector<16xf32>
      %mul3A_1322 = arith.constant 16 : i32
      %mul3A_1323 = arith.muli %scan3A_298, %mul3A_1322 : i32
      %add3A_1324 = arith.constant 15 : i32
      %add3A_1325 = arith.addi %mul3A_1323, %add3A_1324 : i32
      %get3A_1326 = arith.index_cast %add3A_1325 : i32 to index
      %get3A_1327 = arith.constant 80 : index
      %get3A_1328 = tpu.vector_load %arg5[%get3A_1326, %get3A_1327] {strides = array<i32>} : memref<128x96xf32, #tpu.memory_space<vmem>>, vector<1x16xf32>,
      %get3A_1329 = vector.shape_cast %get3A_1328 : vector<1x16xf32> to vector<16xf32>
      %mul3A_1330 = arith.mulf %gather3A_1271, %get3A_1329 : vector<16xf32>
      %add3A_1331 = arith.addf %add3A_1267, %mul3A_1330 : vector<16xf32>
      scf.yield %add3A_1281, %add3A_1291, %add3A_1301, %add3A_1311, %add3A_1321, %add3A_1331 : vector<16xf32>, vector<16xf32>, vector<16xf32>, vector<16xf32>, vector<16xf32>, vector<16xf32>
    }
    %scan3A_267 = arith.constant 8 : i32
    %swap3A_268 = arith.constant 0 : index
    %swap3A_269 = tpu.vector_load %arg11[%swap3A_268] {strides = array<i32>} : memref<96xf32, #tpu.memory_space<vmem>>, vector<16xf32>,
    %swap3A_270 = vector.shape_cast %swap3A_269 : vector<16xf32> to vector<16xf32>
    %swap3A_271 = vector.shape_cast %scan3A_266#0 : vector<16xf32> to vector<16xf32>
    tpu.vector_store %arg11[%swap3A_268], %swap3A_271 {strides = array<i32>} : memref<96xf32, #tpu.memory_space<vmem>>, vector<16xf32>,
    %swap3A_272 = arith.constant 16 : index
    %swap3A_273 = tpu.vector_load %arg11[%swap3A_272] {strides = array<i32>} : memref<96xf32, #tpu.memory_space<vmem>>, vector<16xf32>,
    %swap3A_274 = vector.shape_cast %swap3A_273 : vector<16xf32> to vector<16xf32>
    %swap3A_275 = vector.shape_cast %scan3A_266#1 : vector<16xf32> to vector<16xf32>
    tpu.vector_store %arg11[%swap3A_272], %swap3A_275 {strides = array<i32>} : memref<96xf32, #tpu.memory_space<vmem>>, vector<16xf32>,
    %swap3A_276 = arith.constant 32 : index
    %swap3A_277 = tpu.vector_load %arg11[%swap3A_276] {strides = array<i32>} : memref<96xf32, #tpu.memory_space<vmem>>, vector<16xf32>,
    %swap3A_278 = vector.shape_cast %swap3A_277 : vector<16xf32> to vector<16xf32>
    %swap3A_279 = vector.shape_cast %scan3A_266#2 : vector<16xf32> to vector<16xf32>
    tpu.vector_store %arg11[%swap3A_276], %swap3A_279 {strides = array<i32>} : memref<96xf32, #tpu.memory_space<vmem>>, vector<16xf32>,
    %swap3A_280 = arith.constant 48 : index
    %swap3A_281 = tpu.vector_load %arg11[%swap3A_280] {strides = array<i32>} : memref<96xf32, #tpu.memory_space<vmem>>, vector<16xf32>,
    %swap3A_282 = vector.shape_cast %swap3A_281 : vector<16xf32> to vector<16xf32>
    %swap3A_283 = vector.shape_cast %scan3A_266#3 : vector<16xf32> to vector<16xf32>
    tpu.vector_store %arg11[%swap3A_280], %swap3A_283 {strides = array<i32>} : memref<96xf32, #tpu.memory_space<vmem>>, vector<16xf32>,
    %swap3A_284 = arith.constant 64 : index
    %swap3A_285 = tpu.vector_load %arg11[%swap3A_284] {strides = array<i32>} : memref<96xf32, #tpu.memory_space<vmem>>, vector<16xf32>,
    %swap3A_286 = vector.shape_cast %swap3A_285 : vector<16xf32> to vector<16xf32>
    %swap3A_287 = vector.shape_cast %scan3A_266#4 : vector<16xf32> to vector<16xf32>
    tpu.vector_store %arg11[%swap3A_284], %swap3A_287 {strides = array<i32>} : memref<96xf32, #tpu.memory_space<vmem>>, vector<16xf32>,
    %swap3A_288 = arith.constant 80 : index
    %swap3A_289 = tpu.vector_load %arg11[%swap3A_288] {strides = array<i32>} : memref<96xf32, #tpu.memory_space<vmem>>, vector<16xf32>,
    %swap3A_290 = vector.shape_cast %swap3A_289 : vector<16xf32> to vector<16xf32>
    %swap3A_291 = vector.shape_cast %scan3A_266#5 : vector<16xf32> to vector<16xf32>
    tpu.vector_store %arg11[%swap3A_288], %swap3A_291 {strides = array<i32>} : memref<96xf32, #tpu.memory_space<vmem>>, vector<16xf32>,
    "tpu.region"() ({
      %run_scoped3A = tpu.sem_alloc : memref<!tpu.dma_semaphore, #tpu.memory_space<semaphore_mem>>
      %dma_start3A_298 = arith.constant 0 : i32
      %dma_start3A_299 = tpu.memref_slice %arg14[%dma_start3A_298] : memref<96xf32, #tpu.memory_space<vmem_shared>> -> memref<96xf32, #tpu.memory_space<vmem_shared>>
      tpu.enqueue_indirect_dma source(%arg11 : memref<96xf32, #tpu.memory_space<vmem>>) target(%dma_start3A_299 : memref<96xf32, #tpu.memory_space<vmem_shared>>) offsets(%arg10 : memref<96xi32, #tpu.memory_space<vmem>>) semaphore(%run_scoped3A : memref<!tpu.dma_semaphore, #tpu.memory_space<semaphore_mem>>) {add = true}
      %dma_wait3A_300 = arith.constant 0 : i32
      %dma_wait3A_301 = tpu.memref_slice %arg14[%dma_wait3A_300] : memref<96xf32, #tpu.memory_space<vmem_shared>> -> memref<96xf32, #tpu.memory_space<vmem_shared>>
      tpu.wait_indirect_dma semaphore(%run_scoped3A : memref<!tpu.dma_semaphore, #tpu.memory_space<semaphore_mem>>) src(%arg11 : memref<96xf32, #tpu.memory_space<vmem>>) dst(%dma_wait3A_301 : memref<96xf32, #tpu.memory_space<vmem_shared>>)
      tpu.yield
    }) : () -> ()
    %barrier3A_292 = arith.constant 0 : index
    tpu.barrier barrier_id(%barrier3A_292)
    %eq3A_293 = arith.constant 0 : i32
    %eq3A_294 = arith.cmpi eq, %arg1, %eq3A_293 : i32
    %convert_element_type3A_295 = arith.extui %eq3A_294 : i1 to i32
    %cond3A_296 = arith.constant 0 : i32
    %cond3A_297 = arith.cmpi ne, %convert_element_type3A_295, %cond3A_296 : i32
    scf.if %cond3A_297 {
      "tpu.region"() ({
        %run_scoped3A = tpu.sem_alloc : memref<!tpu.dma_semaphore, #tpu.memory_space<semaphore_mem>>
        tpu.enqueue_dma source(%arg14 : memref<96xf32, #tpu.memory_space<vmem_shared>>) target(%arg12 : memref<96xf32, #tpu.memory_space<vmem>>) target_semaphore(%run_scoped3A : memref<!tpu.dma_semaphore, #tpu.memory_space<semaphore_mem>>)
        tpu.wait_dma2 semaphore(%run_scoped3A : memref<!tpu.dma_semaphore, #tpu.memory_space<semaphore_mem>>) src(%arg14 : memref<96xf32, #tpu.memory_space<vmem_shared>>) dst(%arg12 : memref<96xf32, #tpu.memory_space<vmem>>)
        tpu.yield
      }) : () -> ()
      %get3A = arith.constant 0 : index
      %get3A_298 = tpu.vector_load %arg12[%get3A] {strides = array<i32>} : memref<96xf32, #tpu.memory_space<vmem>>, vector<16xf32>,
      %get3A_299 = vector.shape_cast %get3A_298 : vector<16xf32> to vector<16xf32>
      %mul3A_300 = arith.constant 6.10351563E-5 : f32
      %mul3A_301 = vector.broadcast %mul3A_300 : f32 to vector<16xf32>
      %mul3A_302 = arith.mulf %get3A_299, %mul3A_301 : vector<16xf32>
      %swap3A_303 = arith.constant 0 : index
      %swap3A_304 = tpu.vector_load %arg11[%swap3A_303] {strides = array<i32>} : memref<96xf32, #tpu.memory_space<vmem>>, vector<16xf32>,
      %swap3A_305 = vector.shape_cast %swap3A_304 : vector<16xf32> to vector<16xf32>
      %swap3A_306 = vector.shape_cast %mul3A_302 : vector<16xf32> to vector<16xf32>
      tpu.vector_store %arg11[%swap3A_303], %swap3A_306 {strides = array<i32>} : memref<96xf32, #tpu.memory_space<vmem>>, vector<16xf32>,
      %get3A_307 = arith.constant 16 : index
      %get3A_308 = tpu.vector_load %arg12[%get3A_307] {strides = array<i32>} : memref<96xf32, #tpu.memory_space<vmem>>, vector<16xf32>,
      %get3A_309 = vector.shape_cast %get3A_308 : vector<16xf32> to vector<16xf32>
      %mul3A_310 = arith.constant 6.10351563E-5 : f32
      %mul3A_311 = vector.broadcast %mul3A_310 : f32 to vector<16xf32>
      %mul3A_312 = arith.mulf %get3A_309, %mul3A_311 : vector<16xf32>
      %swap3A_313 = arith.constant 16 : index
      %swap3A_314 = tpu.vector_load %arg11[%swap3A_313] {strides = array<i32>} : memref<96xf32, #tpu.memory_space<vmem>>, vector<16xf32>,
      %swap3A_315 = vector.shape_cast %swap3A_314 : vector<16xf32> to vector<16xf32>
      %swap3A_316 = vector.shape_cast %mul3A_312 : vector<16xf32> to vector<16xf32>
      tpu.vector_store %arg11[%swap3A_313], %swap3A_316 {strides = array<i32>} : memref<96xf32, #tpu.memory_space<vmem>>, vector<16xf32>,
      %get3A_317 = arith.constant 32 : index
      %get3A_318 = tpu.vector_load %arg12[%get3A_317] {strides = array<i32>} : memref<96xf32, #tpu.memory_space<vmem>>, vector<16xf32>,
      %get3A_319 = vector.shape_cast %get3A_318 : vector<16xf32> to vector<16xf32>
      %mul3A_320 = arith.constant 6.10351563E-5 : f32
      %mul3A_321 = vector.broadcast %mul3A_320 : f32 to vector<16xf32>
      %mul3A_322 = arith.mulf %get3A_319, %mul3A_321 : vector<16xf32>
      %swap3A_323 = arith.constant 32 : index
      %swap3A_324 = tpu.vector_load %arg11[%swap3A_323] {strides = array<i32>} : memref<96xf32, #tpu.memory_space<vmem>>, vector<16xf32>,
      %swap3A_325 = vector.shape_cast %swap3A_324 : vector<16xf32> to vector<16xf32>
      %swap3A_326 = vector.shape_cast %mul3A_322 : vector<16xf32> to vector<16xf32>
      tpu.vector_store %arg11[%swap3A_323], %swap3A_326 {strides = array<i32>} : memref<96xf32, #tpu.memory_space<vmem>>, vector<16xf32>,
      %get3A_327 = arith.constant 48 : index
      %get3A_328 = tpu.vector_load %arg12[%get3A_327] {strides = array<i32>} : memref<96xf32, #tpu.memory_space<vmem>>, vector<16xf32>,
      %get3A_329 = vector.shape_cast %get3A_328 : vector<16xf32> to vector<16xf32>
      %mul3A_330 = arith.constant 6.10351563E-5 : f32
      %mul3A_331 = vector.broadcast %mul3A_330 : f32 to vector<16xf32>
      %mul3A_332 = arith.mulf %get3A_329, %mul3A_331 : vector<16xf32>
      %swap3A_333 = arith.constant 48 : index
      %swap3A_334 = tpu.vector_load %arg11[%swap3A_333] {strides = array<i32>} : memref<96xf32, #tpu.memory_space<vmem>>, vector<16xf32>,
      %swap3A_335 = vector.shape_cast %swap3A_334 : vector<16xf32> to vector<16xf32>
      %swap3A_336 = vector.shape_cast %mul3A_332 : vector<16xf32> to vector<16xf32>
      tpu.vector_store %arg11[%swap3A_333], %swap3A_336 {strides = array<i32>} : memref<96xf32, #tpu.memory_space<vmem>>, vector<16xf32>,
      %get3A_337 = arith.constant 64 : index
      %get3A_338 = tpu.vector_load %arg12[%get3A_337] {strides = array<i32>} : memref<96xf32, #tpu.memory_space<vmem>>, vector<16xf32>,
      %get3A_339 = vector.shape_cast %get3A_338 : vector<16xf32> to vector<16xf32>
      %mul3A_340 = arith.constant 6.10351563E-5 : f32
      %mul3A_341 = vector.broadcast %mul3A_340 : f32 to vector<16xf32>
      %mul3A_342 = arith.mulf %get3A_339, %mul3A_341 : vector<16xf32>
      %swap3A_343 = arith.constant 64 : index
      %swap3A_344 = tpu.vector_load %arg11[%swap3A_343] {strides = array<i32>} : memref<96xf32, #tpu.memory_space<vmem>>, vector<16xf32>,
      %swap3A_345 = vector.shape_cast %swap3A_344 : vector<16xf32> to vector<16xf32>
      %swap3A_346 = vector.shape_cast %mul3A_342 : vector<16xf32> to vector<16xf32>
      tpu.vector_store %arg11[%swap3A_343], %swap3A_346 {strides = array<i32>} : memref<96xf32, #tpu.memory_space<vmem>>, vector<16xf32>,
      %get3A_347 = arith.constant 80 : index
      %get3A_348 = tpu.vector_load %arg12[%get3A_347] {strides = array<i32>} : memref<96xf32, #tpu.memory_space<vmem>>, vector<16xf32>,
      %get3A_349 = vector.shape_cast %get3A_348 : vector<16xf32> to vector<16xf32>
      %mul3A_350 = arith.constant 6.10351563E-5 : f32
      %mul3A_351 = vector.broadcast %mul3A_350 : f32 to vector<16xf32>
      %mul3A_352 = arith.mulf %get3A_349, %mul3A_351 : vector<16xf32>
      %swap3A_353 = arith.constant 80 : index
      %swap3A_354 = tpu.vector_load %arg11[%swap3A_353] {strides = array<i32>} : memref<96xf32, #tpu.memory_space<vmem>>, vector<16xf32>,
      %swap3A_355 = vector.shape_cast %swap3A_354 : vector<16xf32> to vector<16xf32>
      %swap3A_356 = vector.shape_cast %mul3A_352 : vector<16xf32> to vector<16xf32>
      tpu.vector_store %arg11[%swap3A_353], %swap3A_356 {strides = array<i32>} : memref<96xf32, #tpu.memory_space<vmem>>, vector<16xf32>,
      "tpu.region"() ({
        %run_scoped3A = tpu.sem_alloc : memref<!tpu.dma_semaphore, #tpu.memory_space<semaphore_mem>>
        tpu.enqueue_dma source(%arg11 : memref<96xf32, #tpu.memory_space<vmem>>) target(%arg4 : memref<96xf32, #tpu.memory_space<hbm>>) target_semaphore(%run_scoped3A : memref<!tpu.dma_semaphore, #tpu.memory_space<semaphore_mem>>)
        tpu.wait_dma2 semaphore(%run_scoped3A : memref<!tpu.dma_semaphore, #tpu.memory_space<semaphore_mem>>) src(%arg11 : memref<96xf32, #tpu.memory_space<vmem>>) dst(%arg4 : memref<96xf32, #tpu.memory_space<hbm>>)
        tpu.yield
      }) : () -> ()
    } else {
    }
    return
  }
}

</mosaic_0001>

<sc_bundles>
// kernel: _run.3.cloned.1.call-start
scs
__scs_entry_jumppad:
0x0: {  	(pc) =	sbr.rel $0x88, $3  }
0x1: {  	(tag) =	ssettag $0x0;
	lr =	simm.s32 $0x1  }
0x2: {  	[smem:$0x3F9F] =	sst lr;
	_ =	strace $0xD0000000  }
0x3: {  	_ = 	snop  }
0x4: {  	_ = 	snop  }
0x5: {  	_ = 	snop  }
0x6: {  	_ = 	snop  }
0x7: {  	_ = 	snop  }
__scs_overlays_trampoline_lowered:
0x8: {  	[smem:$0x3FAE] =	sst s0  }
0x9: {  	[smem:$0x3FAF] =	sst s1  }
0xa: {  	[smem:$0x3FB0] =	sst s2  }
0xb: {  	[smem:$0x3FB1] =	sst s3  }
0xc: {  	[smem:$0x3FB2] =	sst s4  }
0xd: {  	[smem:$0x3FB3] =	sst s5  }
0xe: {  	[smem:$0x3FB4] =	sst s6  }
0xf: {  	[smem:$0x3FB5] =	sst s7  }
0x10: {  	[smem:$0x3FB6] =	sst s8  }
0x11: {  	[smem:$0x3FB7] =	sst s9;
	s0 =	simm.s32 @!p0 $0x0  }
0x12: {  	s1 =	sld [smem:$0x3F9D];
	s0 =	simm.s32 @p0 $0x1  }
0x13: {  	[smem:$0x3FB8] =	sst s0;
	s0 =	simm.s32 @!p1 $0x0  }
0x14: {  	s2 =	sld [smem:$0x3F9C];
	s0 =	simm.s32 @p1 $0x1  }
0x15: {  	[smem:$0x3FB9] =	sst s0;
	s0 =	simm.s32 @!p2 $0x0  }
0x16: {  	s3 =	sld [smem:$0x3FDB];
	s0 =	simm.s32 @p2 $0x1  }
0x17: {  	s4 =	simm.s32 $0x1BF5;
	[smem:$0x3FBB] =	sst s0  }
0x18: {  	s0 =	sld [smem:$0x3F9E];
	_ =	swait.ge [sflag:s4], $0x0  }
0x19: {  	s7 =	sld [smem:$0x3F9F]  }
0x1a: {  	s8 =	sadd.s32 $0xFFFFE003, lr  }
0x1b: {  	s9 =	sadd.s32 $0xFFFFFEF7, lr;
	s5 =	simm.s32 $0xFFFFFFFF;
	p2 =	slt.u32 s8, $0xFFFFF086  }
0x1c: {  	p1 =	slt.u32 s9, $0xF7A;
	s5 =	simm.s32 @!p2 $0x0  }
0x1d: {  	s5 =	simm.s32 @p1 $0x1;
	p0 =	seq.s32 s7, s2  }
0x1e: {  	s7 =	smul.u32 @!p0 $0xF7A, s2;
	p2 =	seq.s32 @!p0 s5, $0x0  }
0x1f: {  	s9 =	smul.u32 $0xF7A, s1;
	s8 =	simm.s32 @!p0 $0x1BF5;
	p2 =	por !p2, p0  }
0x20: {  	[sflag:s8] =	ssyncset.s32 @!p0 $0xFFFFF086;
	s6 =	sadd.s32 @!p0 s3, s7;
	s7 =	simm.s32 @!p0 $0x108  }
0x21: {  	s3 =	sadd.s32 s3, s9;
	s6 =	sadd.s32 @!p0 $0x88, s6;
	s7 =	simm.s32 @p2 $0x1082  }
0x22: {  	[simem:s7], [sflag:s8] =	dma.local @!p0 [hbm:s6], $0xF7A  }
0x23: {  	s9 =	sor.u32 $0xD0000000, s2;
	s6 =	simm.s32 $0x108;
	_ =	swait.ge @!p0 [sflag:s8], $0x0  }
0x24: {  	s3 =	sadd.s32 $0x88, s3;
	s6 =	simm.s32 @!p1 $0x1082;
	[sflag:s4] =	ssyncset.s32 $0xFFFFF086  }
0x25: {  	[simem:s6], [sflag:s4] =	dma.local [hbm:s3], $0xF7A  }
0x26: {  	[smem:$0x3F9F] =	sst s1;
	(tag) =	ssettag s2;
	_ =	strace s9  }
0x27: {  	s1 =	sld [smem:$0x3FAF]  }
0x28: {  	s2 =	sld [smem:$0x3FB0]  }
0x29: {  	s4 =	sld [smem:$0x3FB2]  }
0x2a: {  	p0 =	seq.s32 s5, $0x0;
	s5 =	sld [smem:$0x3FB3]  }
0x2b: {  	s6 =	sld [smem:$0x3FB4]  }
0x2c: {  	s7 =	sld [smem:$0x3FB5]  }
0x2d: {  	s3 =	simm.s32 $0x108;
	s8 =	sld [smem:$0x3FB6]  }
0x2e: {  	s3 =	simm.s32 @!p0 $0x1082;
	s9 =	sld [smem:$0x3FB7]  }
0x2f: {  	lr =	sadd.s32 s0, s3;
	s0 =	sld [smem:$0x3FAE]  }
0x30: {  	s3 =	sld [smem:$0x3FB1]  }
0x31: {  	[smem:$0x3FBA] =	sst s10  }
0x32: {  	s10 =	sld [smem:$0x3FB8];
	_ =	sdelay $0x3  }
0x33: {  	p0 =	seq.s32 s10, $0x1;
	s10 =	sld [smem:$0x3FBA];
	_ =	sdelay $0x3  }
0x34: {  	[smem:$0x3FBA] =	sst s10  }
0x35: {  	s10 =	sld [smem:$0x3FB9];
	_ =	sdelay $0x3  }
0x36: {  	p1 =	seq.s32 s10, $0x1;
	s10 =	sld [smem:$0x3FBA];
	_ =	sdelay $0x3  }
0x37: {  	[smem:$0x3FBA] =	sst s10  }
0x38: {  	s10 =	sld [smem:$0x3FBB]  }
0x39: {  	_ = 	snop;
	(pc) =	sbr.ind lr, $3  }
0x3a: {  	_ = 	snop  }
0x3b: {  	_ = 	snop  }
0x3c: {  	p2 =	seq.s32 s10, $0x1;
	s10 =	sld [smem:$0x3FBA]  }
0x3d: {  	_ =	shalt  }
0x3e: {  	_ =	shalt  }
0x3f: {  	_ =	shalt  }
0x40: {  	_ =	shalt  }
0x41: {  	_ =	shalt  }
0x42: {  	_ =	shalt  }
0x43: {  	_ =	shalt  }
0x44: {  	_ =	shalt  }
0x45: {  	_ =	shalt  }
0x46: {  	_ =	shalt  }
0x47: {  	_ =	shalt  }
0x48: {  	_ =	shalt  }
0x49: {  	_ =	shalt  }
0x4a: {  	_ =	shalt  }
0x4b: {  	_ =	shalt  }
0x4c: {  	_ =	shalt  }
0x4d: {  	_ =	shalt  }
0x4e: {  	_ =	shalt  }
0x4f: {  	_ =	shalt  }
0x50: {  	_ =	shalt  }
0x51: {  	_ =	shalt  }
0x52: {  	_ =	shalt  }
0x53: {  	_ =	shalt  }
0x54: {  	_ =	shalt  }
0x55: {  	_ =	shalt  }
0x56: {  	_ =	shalt  }
0x57: {  	_ =	shalt  }
0x58: {  	_ =	shalt  }
0x59: {  	_ =	shalt  }
0x5a: {  	_ =	shalt  }
0x5b: {  	_ =	shalt  }
0x5c: {  	_ =	shalt  }
0x5d: {  	_ =	shalt  }
0x5e: {  	_ =	shalt  }
0x5f: {  	_ =	shalt  }
0x60: {  	_ =	shalt  }
0x61: {  	_ =	shalt  }
0x62: {  	_ =	shalt  }
0x63: {  	_ =	shalt  }
0x64: {  	_ =	shalt  }
0x65: {  	_ =	shalt  }
0x66: {  	_ =	shalt  }
0x67: {  	_ =	shalt  }
0x68: {  	_ =	shalt  }
0x69: {  	_ =	shalt  }
0x6a: {  	_ =	shalt  }
0x6b: {  	_ =	shalt  }
0x6c: {  	_ =	shalt  }
0x6d: {  	_ =	shalt  }
0x6e: {  	_ =	shalt  }
0x6f: {  	_ =	shalt  }
0x70: {  	_ =	shalt  }
0x71: {  	_ =	shalt  }
0x72: {  	_ =	shalt  }
0x73: {  	_ =	shalt  }
0x74: {  	_ =	shalt  }
0x75: {  	_ =	shalt  }
0x76: {  	_ =	shalt  }
0x77: {  	_ =	shalt  }
0x78: {  	_ =	shalt  }
0x79: {  	_ =	shalt  }
0x7a: {  	_ =	shalt  }
0x7b: {  	_ =	shalt  }
0x7c: {  	_ =	shalt  }
0x7d: {  	_ =	shalt  }
0x7e: {  	_ =	shalt  }
0x7f: {  	_ =	shalt  }
0x80: {  	_ =	shalt  }
0x81: {  	_ =	shalt  }
0x82: {  	_ =	shalt  }
0x83: {  	_ =	shalt  }
0x84: {  	_ =	shalt  }
0x85: {  	_ =	shalt  }
0x86: {  	_ =	shalt  }
0x87: {  	_ =	shalt  }
.Lfunc_end0:
.L_simem_size_0:
called_computation_lowered:
.L_overlay_start_0:
0x88: {  	s0 =	sld [smem:$0x3FD9]  }
0x89: {  	s1 =	sld [smem:$0x3FFE];
	_ =	sdelay $0x3  }
0x8a: {  	s0 =	sadd.s32 s1, s0  }
0x8b: {  	[smem:$0x3FC6] =	sst s0  }
0x8c: {  	_ = 	snop  }
0x8d: {  	s0 =	sld [smem:$0x3FC8]  }
0x8e: {  	s16 =	sld [smem:$0x3FD0];
	(tm) =	ssettm $0x1  }
0x8f: {  	s2 =	sld [smem:$0x3FFB];
	_ =	sdelay $0x3  }
0x90: {  	_ =	strace s2  }
0x91: {  	s2 =	sld [smem:$0x3FFC];
	_ =	sdelay $0x3  }
0x92: {  	_ =	strace s2  }
0x93: {  	s2 =	sld [smem:$0x3FFD];
	_ =	sdelay $0x3  }
0x94: {  	_ =	strace s2  }
0x95: {  	_ =	strace $0x8FFFFFFF  }
0x96: {  	s17 =	sld [smem:$0x3FDB];
	_ =	sdelay $0x1  }
0x97: {  	s3 =	simm.s32 $_scs_section_size  }
0x98: {  	s4 =	simm.s32 $_size__tile_overlayer_lowered;
	s5 =	simm.s32 $_tile_overlayer_lowered  }
0x99: {  	s20 =	simm.s32 $0x1BFF;
	s19 =	sshll.u32 s5, $0x1;
	s2 =	sadd.s32 s3, s17  }
0x9a: {  	s6 =	simm.s32 $0x0;
	s18 =	sshll.u32 s4, $0x1;
	s4 =	sadd.s32 s19, s2  }
0x9b: {  	[timem:s6], [sflag:s20] =	dma.local [hbm:s4], s18  }
0x9c: {  	_ =	swait.ge [sflag:s20], s18  }
0x9d: {  	s3 =	ssub.s32 $0x0, s18;
	[sflag:s20] =	ssyncset.done $0x0  }
0x9e: {  	[sflag:s20] =	ssyncadd.s32 s3;
	_ =	sdelay $0x1  }
0x9f: {  	s21 =	simm.s32 $0x1B8B  }
0xa0: {  	_ =	swait.ge [sflag:s21], $0x1  }
0xa1: {  	[sflag:s21] =	ssyncset.done $0x0  }
0xa2: {  	s23 =	simm.s32 $0x1B8E;
	s22 =	sld [smem:$0x3FFE];
	[sflag:s21] =	ssyncadd.s32 $0xFFFFFFFF  }
0xa3: {  	s24 =	simm.s32 $execute0_lowered;
	[smem:$0x3FD2] =	sst s23  }
0xa4: {  	s4 =	sshll.u32 s24, $0x1;
	_ =	strace $0x80000046;
	[dreg:$0x1] =	wrdreg $0xFFFFFFFF  }
0xa5: {  	s25 =	simm.s32 $_size_execute0_lowered;
	s2 =	sadd.s32 s2, s4;
	[dreg:$0x0] =	wrdreg $0x0  }
0xa6: {  	s4 =	sshll.u32 s25, $0x1;
	[dreg:$0x2] =	wrdreg s2  }
0xa7: {  	[dreg:$0x3] =	wrdreg s4  }
0xa8: {  	[dreg:$0x4] =	wrdreg $0xC0  }
0xa9: {  	_ =	task [dreg:s6], $0x5FFFF  }
0xaa: {  	[dreg:$0x1] =	wrdreg $0xFFFFFFFF  }
0xab: {  	[dreg:$0x0] =	wrdreg $0x60  }
0xac: {  	[dreg:$0x2] =	wrdreg s22  }
0xad: {  	[dreg:$0x3] =	wrdreg s0  }
0xae: {  	[dreg:$0x4] =	wrdreg s16  }
0xaf: {  	[dreg:$0x5] =	wrdreg $0x36A00  }
0xb0: {  	[dreg:$0x6] =	wrdreg $0x37200  }
0xb1: {  	[dreg:$0x7] =	wrdreg $0x9  }
0xb2: {  	_ =	task.clear_ibuf [dreg:s6], $0x8FFFF;
	_ =	strace $0x90000046  }
0xb3: {  	s26 =	simm.s32 $0x9;
	_ =	strace $0x80000048  }
0xb4: {  	_ =	swait.ge [sflag:s26], $0x1  }
0xb5: {  	[sflag:s26] =	ssyncadd.s32 $0xFFFFFFFF  }
0xb6: {  	_ =	strace $0x90000048  }
0xb7: {  	_ =	sfence  }
0xb8: {  	s28 =	sld [smem:$0x0];
	_ =	sdelay $0x1  }
0xb9: {  	s29 =	srdreg.scid  }
0xba: {  	s30 =	sshll.u32 s29, $0xD;
	s31 =	sshrl.u32 s29, $0x2  }
0xbb: {  	s1 =	sand.u32 $0x1, s29;
	s2 =	sand.u32 $0x4000, s30;
	s0 =	sadd.s32 s31, s28  }
0xbc: {  	s1 =	sor.u32 s2, s1;
	s0 =	sshll.u32 s0, $0x11  }
0xbd: {  	s0 =	sor.u32 s0, s1  }
0xbe: {  	s0 =	sadd.s32 $0x8F2B, s0  }
0xbf: {  	[sflag:s0] =	ssyncadd.remote.s32 $0x1  }
0xc0: {  	_ =	sfence.sel $0xFFFF  }
0xc1: {  	[dreg:$0x0] =	wrdreg $0xFFFFFFFF;
	(pc) =	sbr.abs _section_cstart, $3  }
0xc2: {  	[dreg:$0x1] =	wrdreg $0xFFFFFFFF  }
0xc3: {  	_ =	task.clear_ibuf [dreg:s6], $0x2FFFF;
	_ =	strace $0x9FFFFFFF  }
0xc4: {  	(tm) =	ssettm $0x7FFFFFFF  }
0xc5: {  	_ =	shalt  }
tec
execute0_lowered:
.L_overlay_start_1:
0x0: {  	(tag) =	ssettag $0x1  }
0x1: {  	s4 =	rddreg [dreg:$0x0]  }
0x2: {  	s5 =	rddreg [dreg:$0x1]  }
0x3: {  	s1 =	rddreg [dreg:$0x2]  }
0x4: {  	s3 =	rddreg [dreg:$0x3];
	s6 =	stileid.u32  }
0x5: {  	s2 =	rddreg [dreg:$0x4];
	s7 =	smul.u32 $0x600, s6  }
0x6: {  	s0 =	rddreg [dreg:$0x5];
	s8 =	simm.s32 $0x0  }
0x7: {  	[smem:$0x7FF] =	sst s8;
	s4 =	sadd.s32 s7, s4  }
0x8: {  	s13 =	sshll.u32 s6, $0x7;
	_ =	strace $0x80000047;
	s4 =	sadd.s32 $0x400, s4  }
0x9: {  	[tilespmem:s8], [sflag:$0x1] =	stream.linear.gather [hbm4b:s4+s8], $0x3000, $0x38;
	[tilespmem:$0x3728] =	vst v63  }
0xa: {  	s15 =	simm.s32 $0x3000;
	s14 =	sadd.s32 s5, s13  }
0xb: {  	v0 =	vimm.f32 $1.000000000e+00;
	[tilespmem:s15], [sflag:$0x2] =	stream.linear.gather [hbm4b:s14+s8], $0x400, $0x38;
	[tilespmem:$0x3728] =	vst v63  }
0xc: {  	[tilespmem:$0x3400] =	vst v0  }
0xd: {  	[tilespmem:$0x3410] =	vst v0  }
0xe: {  	[tilespmem:$0x3420] =	vst v0  }
0xf: {  	[tilespmem:$0x3430] =	vst v0  }
0x10: {  	[tilespmem:$0x3440] =	vst v0  }
0x11: {  	[tilespmem:$0x3450] =	vst v0  }
0x12: {  	[tilespmem:$0x3460] =	vst v0  }
0x13: {  	v47 =	vimm.f32 $0.0e+00;
	[tilespmem:$0x3470] =	vst v0  }
0x14: {  	[tilespmem:$0x3480] =	vst v47  }
0x15: {  	[tilespmem:$0x3490] =	vst v47  }
0x16: {  	[tilespmem:$0x34A0] =	vst v47  }
0x17: {  	[tilespmem:$0x34B0] =	vst v47  }
0x18: {  	[tilespmem:$0x34C0] =	vst v47  }
0x19: {  	[tilespmem:$0x34D0] =	vst v47  }
0x1a: {  	[tilespmem:$0x34E0] =	vst v47  }
0x1b: {  	[tilespmem:$0x34F0] =	vst v47;
	v0 =	vlaneseq.u32  }
0x1c: {  	[tilespmem:$0x3580] =	vst v0;
	v1 =	vor.u32 $0x10, v0  }
0x1d: {  	[tilespmem:$0x3590] =	vst v1;
	v1 =	vor.u32 $0x20, v0  }
0x1e: {  	[tilespmem:$0x35A0] =	vst v1;
	v1 =	vor.u32 $0x30, v0  }
0x1f: {  	[tilespmem:$0x35B0] =	vst v1;
	v1 =	vor.u32 $0x40, v0  }
0x20: {  	v0 =	vor.u32 $0x50, v0;
	[tilespmem:$0x35C0] =	vst v1  }
0x21: {  	s17 =	simm.s32 $0x3480;
	s18 =	simm.s32 $0x3;
	s16 =	sadd.s32 s13, s3;
	[tilespmem:$0x35D0] =	vst v0  }
0x22: {  	[spmem:s16] =	stream.linear.scatter [tilespmem:s17], [sflag:$0x3], $0x80, $0x38;
	[tilespmem:$0x3728] =	vst v63  }
0x23: {  	_ =	swait.ge [sflag:s18], $0x80  }
0x24: {  	p0 =	sne.s32 s6, $0x0;
	[sflag:s18] =	ssyncset.done $0x0  }
0x25: {  	s6 =	simm.s32 @!p0 $0x3480;
	[sflag:s18] =	ssyncadd.s32 $0xFFFFFF80  }
0x26: {  	[spmem:s2] =	stream.linear.scatter @!p0 [tilespmem:s6], [sflag:$0x3], $0x60, $0x38;
	[tilespmem:$0x3728] =	vst v63  }
0x27: {  	s6 =	simm.s32 @!p0 $0x3  }
0x28: {  	_ =	swait.ge @!p0 [sflag:s6], $0x60  }
0x29: {  	[sflag:s6] =	ssyncset.done @!p0 $0x0  }
0x2a: {  	[sflag:s6] =	ssyncadd.s32 @!p0 $0xFFFFFFA0  }
0x2b: {  	s19 =	simm.s32 $0x2;
	[bflag:$0x0] =	sbarrier.arrive $0xFFFF  }
0x2c: {  	_ =	swait.ge [sflag:s19], $0x400  }
0x2d: {  	[sflag:s19] =	ssyncset.done $0x0  }
0x2e: {  	s20 =	simm.s32 $0x80;
	s9 =	simm.s32 $0x3400;
	[sflag:s19] =	ssyncadd.s32 $0xFFFFFC00  }
0x2f: {  	[spmem:s3] =	stream.indirect.scatter.add.f32 [tilespmem:s9], [sflag:$0x2], $0x1, s15, s20, $0xb8;
	[tilespmem:$0x3728] =	vst v63  }
0x30: {  	s21 =	simm.s32 $0x3080  }
0x31: {  	[spmem:s3] =	stream.indirect.scatter.add.f32 [tilespmem:s9], [sflag:$0x2], $0x1, s21, s20, $0xb8;
	[tilespmem:$0x3728] =	vst v63  }
0x32: {  	s22 =	simm.s32 $0x3100  }
0x33: {  	[spmem:s3] =	stream.indirect.scatter.add.f32 [tilespmem:s9], [sflag:$0x2], $0x1, s22, s20, $0xb8;
	[tilespmem:$0x3728] =	vst v63  }
0x34: {  	s23 =	simm.s32 $0x3180  }
0x35: {  	[spmem:s3] =	stream.indirect.scatter.add.f32 [tilespmem:s9], [sflag:$0x2], $0x1, s23, s20, $0xb8;
	[tilespmem:$0x3728] =	vst v63  }
0x36: {  	s24 =	simm.s32 $0x3200  }
0x37: {  	[spmem:s3] =	stream.indirect.scatter.add.f32 [tilespmem:s9], [sflag:$0x2], $0x1, s24, s20, $0xb8;
	[tilespmem:$0x3728] =	vst v63  }
0x38: {  	s25 =	simm.s32 $0x3280  }
0x39: {  	[spmem:s3] =	stream.indirect.scatter.add.f32 [tilespmem:s9], [sflag:$0x2], $0x1, s25, s20, $0xb8;
	[tilespmem:$0x3728] =	vst v63  }
0x3a: {  	s26 =	simm.s32 $0x3300  }
0x3b: {  	[spmem:s3] =	stream.indirect.scatter.add.f32 [tilespmem:s9], [sflag:$0x2], $0x1, s26, s20, $0xb8;
	[tilespmem:$0x3728] =	vst v63  }
0x3c: {  	s28 =	simm.s32 $0x3380  }
0x3d: {  	[spmem:s3] =	stream.indirect.scatter.add.f32 [tilespmem:s9], [sflag:$0x2], $0x1, s28, s20, $0xb8;
	[tilespmem:$0x3728] =	vst v63  }
0x3e: {  	_ =	swait.ge [sflag:s19], $0x80  }
0x3f: {  	[sflag:s19] =	ssyncset.done $0x0  }
0x40: {  	[sflag:s19] =	ssyncadd.s32 $0xFFFFFF80  }
0x41: {  	_ =	swait.ge [sflag:s19], $0x80  }
0x42: {  	[sflag:s19] =	ssyncset.done $0x0  }
0x43: {  	[sflag:s19] =	ssyncadd.s32 $0xFFFFFF80  }
0x44: {  	_ =	swait.ge [sflag:s19], $0x80  }
0x45: {  	[sflag:s19] =	ssyncset.done $0x0  }
0x46: {  	[sflag:s19] =	ssyncadd.s32 $0xFFFFFF80  }
0x47: {  	_ =	swait.ge [sflag:s19], $0x80  }
0x48: {  	[sflag:s19] =	ssyncset.done $0x0  }
0x49: {  	[sflag:s19] =	ssyncadd.s32 $0xFFFFFF80  }
0x4a: {  	_ =	swait.ge [sflag:s19], $0x80  }
0x4b: {  	[sflag:s19] =	ssyncset.done $0x0  }
0x4c: {  	[sflag:s19] =	ssyncadd.s32 $0xFFFFFF80  }
0x4d: {  	_ =	swait.ge [sflag:s19], $0x80  }
0x4e: {  	[sflag:s19] =	ssyncset.done $0x0  }
0x4f: {  	[sflag:s19] =	ssyncadd.s32 $0xFFFFFF80  }
0x50: {  	_ =	swait.ge [sflag:s19], $0x80  }
0x51: {  	[sflag:s19] =	ssyncset.done $0x0  }
0x52: {  	[sflag:s19] =	ssyncadd.s32 $0xFFFFFF80  }
0x53: {  	_ =	swait.ge [sflag:s19], $0x80  }
0x54: {  	[sflag:s19] =	ssyncset.done $0x0  }
0x55: {  	[sflag:s19] =	ssyncadd.s32 $0xFFFFFF80  }
0x56: {  	s29 =	simm.s32 $0x3500;
	[bflag:$0x0] =	sbarrier.arrive $0xFFFF  }
0x57: {  	[tilespmem:s29], [sflag:$0x3] =	stream.linear.gather [spmem:s16], $0x80, $0x38;
	[tilespmem:$0x3728] =	vst v63  }
0x58: {  	_ =	swait.ge [sflag:s18], $0x80  }
0x59: {  	[sflag:s18] =	ssyncset.done $0x0  }
0x5a: {  	s30 =	simm.s32 $0x1;
	[sflag:s18] =	ssyncadd.s32 $0xFFFFFF80  }
0x5b: {  	_ =	swait.ge [sflag:s30], $0x3000  }
0x5c: {  	[sflag:s30] =	ssyncset.done $0x0  }
0x5d: {  	s3 =	simm.s32 $0x300;
	[sflag:s30] =	ssyncadd.s32 $0xFFFFD000  }
0x5e: {  	v4 =	vld [tilespmem:s3+$0x2A0]  }
0x5f: {  	v5 =	vld [tilespmem:s3+$0x2B0]  }
0x60: {  	v6 =	vld [tilespmem:s3+$0x2C0]  }
0x61: {  	v8 =	vld [tilespmem:s3+$0x2D0]  }
0x62: {  	v9 =	vld [tilespmem:s3+$0x240]  }
0x63: {  	v10 =	vld [tilespmem:s3+$0x250]  }
0x64: {  	v11 =	vld [tilespmem:s3+$0x260]  }
0x65: {  	v12 =	vld [tilespmem:s3+$0x270]  }
0x66: {  	v14 =	vld [tilespmem:s3+$0x1E0]  }
0x67: {  	v15 =	vld [tilespmem:s3+$0x1F0]  }
0x68: {  	v16 =	vld [tilespmem:s3+$0x200]  }
0x69: {  	v17 =	vld [tilespmem:s3+$0x210]  }
0x6a: {  	v18 =	vld [tilespmem:s3+$0x180]  }
0x6b: {  	v21 =	vld [tilespmem:s3+$0x190]  }
0x6c: {  	v23 =	vld [tilespmem:s3+$0x1A0]  }
0x6d: {  	v34 =	vld [tilespmem:s3+$0x1B0]  }
0x6e: {  	v37 =	vld [tilespmem:s3+$0x120]  }
0x6f: {  	s31 =	simm.s32 $0x0;
	v38 =	vld [tilespmem:s3+$0x130]  }
0x70: {  	v20 =	vld [tilespmem:s31+$0x3500]  }
0x71: {  	v42 =	vld [tilespmem:s3+$0x140]  }
0x72: {  	v44 =	vld [tilespmem:s3+$0x150]  }
0x73: {  	v48 =	vld [tilespmem:s3+$0xC0]  }
0x74: {  	v49 =	vld [tilespmem:s3+$0xD0]  }
0x75: {  	v0 =	vld [tilespmem:s3+$0xE0]  }
0x76: {  	v52 =	vld [tilespmem:s3+$0xF0]  }
0x77: {  	v13 =	vimm.s32 $0x0;
	v24 =	vimm.s32 $0x2;
	v25 =	vimm.s32 $0x4;
	v53 =	vld [tilespmem:s3+$0x60]  }
0x78: {  	v22 =	vimm.s32 $0x6;
	v26 =	vimm.s32 $0x8;
	v7 =	vimm.s32 $0xA;
	v55 =	vld [tilespmem:s3+$0x70]  }
0x79: {  	v2 =	vimm.s32 $0xC;
	v3 =	vimm.s32 $0xF;
	v19 =	vimm.s32 $0xD;
	v56 =	vld [tilespmem:s3+$0x80]  }
0x7a: {  	v30 =	vimm.s32 $0x7;
	v57 =	vld [tilespmem:s3+$0x90];
	v28 =	vperm.xlane v20, v26;
	v32 =	vperm.xlane v20, v22  }
0x7b: {  	v27 =	vimm.s32 $0xB;
	v54 =	vld [tilespmem:s3+$0x0];
	v31 =	vperm.xlane v20, v30;
	v36 =	vperm.xlane v20, v25  }
0x7c: {  	v60 =	vld [tilespmem:s3+$0x10];
	[tilespmem:$0x1FFF0] =	vst v0;
	v0 =	vimm.s32 $0xE;
	v40 =	vperm.xlane v20, v24;
	v43 =	vperm.xlane v20, v13  }
0x7d: {  	v29 =	vimm.s32 $0x9;
	v61 =	vld [tilespmem:s3+$0x20];
	v1 =	vperm.xlane v20, v0;
	v0 =	vperm.xlane v20, v3  }
0x7e: {  	v33 =	vld [tilespmem:s3+$0xFFFFFDC0];
	v26 =	vimm.s32 $0x5;
	v3 =	vperm.xlane v20, v2;
	v2 =	vperm.xlane v20, v19  }
0x7f: {  	v58 =	vld [tilespmem:s3+$0xFFFFFDD0];
	v30 =	vimm.s32 $0x3;
	v19 =	vperm.xlane v20, v7;
	v7 =	vperm.xlane v20, v27  }
0x80: {  	v22 =	vld [tilespmem:s3+$0xFFFFFD00];
	v25 =	vimm.s32 $0x1;
	v27 =	vperm.xlane v20, v29;
	v35 =	vperm.xlane v20, v26  }
0x81: {  	v29 =	vld [tilespmem:s3+$0xFFFFFD10];
	v39 =	vperm.xlane v20, v30;
	v41 =	vperm.xlane v20, v25  }
0x82: {  	v30 =	vld [tilespmem:s3+$0xFFFFFD60];
	v46 =	vmul.f32 v4, v0;
	v45 =	vmul.f32 v5, v0  }
0x83: {  	v20 =	vld [tilespmem:s3+$0xFFFFFD70];
	v4 =	vmul.f32 v6, v0;
	v50 =	vmul.f32 v9, v1  }
0x84: {  	v62 =	vld [tilespmem:s3+$0xFFFFFE80];
	v51 =	vmul.f32 v10, v1;
	v59 =	vmul.f32 v15, v2  }
0x85: {  	v15 =	vld [tilespmem:s3+$0xFFFFFF40];
	[tilespmem:$0x1FF80] =	vst v4;
	v6 =	vmul.f32 v22, v43;
	v4 =	vmul.f32 v8, v0  }
0x86: {  	v63 =	vmul.f32 v21, v3;
	v8 =	vmul.f32 v29, v43;
	v29 =	vld [tilespmem:s3+$0xFFFFFE20]  }
0x87: {  	v9 =	vmul.f32 v30, v41;
	v30 =	vld [tilespmem:s3+$0xFFFFFE30];
	[tilespmem:$0x1FF90] =	vst v4;
	v6 =	vadd.f32 v6, v47;
	v4 =	vimm.f32 $0.0e+00  }
0x88: {  	v10 =	vmul.f32 v20, v41;
	[tilespmem:$0x1FFA0] =	vst v4;
	v8 =	vadd.f32 v8, v47;
	v4 =	vmul.f32 v11, v1;
	v11 =	vld [tilespmem:s3+$0xFFFFFE90]  }
0x89: {  	v6 =	vadd.f32 v9, v6;
	v9 =	vmul.f32 v33, v40;
	v33 =	vmul.f32 v23, v3;
	v23 =	vld [tilespmem:s3+$0xFFFFFF00]  }
0x8a: {  	[tilespmem:$0x1FFB0] =	vst v4;
	v8 =	vadd.f32 v10, v8;
	v4 =	vmul.f32 v12, v1;
	v10 =	vmul.f32 v58, v40;
	v12 =	vld [tilespmem:s3+$0xFFFFFEE0]  }
0x8b: {  	v58 =	vmul.f32 v14, v2;
	v14 =	vld [tilespmem:s3+$0xFFFFFEF0];
	v6 =	vadd.f32 v9, v6;
	v9 =	vmul.f32 v29, v39  }
0x8c: {  	[tilespmem:$0x1FFC0] =	vst v4;
	v8 =	vadd.f32 v10, v8;
	v10 =	vmul.f32 v30, v39;
	v4 =	vmul.f32 v16, v2;
	v16 =	vld [tilespmem:s3+$0xFFFFFF50]  }
0x8d: {  	v6 =	vadd.f32 v9, v6;
	v9 =	vmul.f32 v62, v36;
	v62 =	vmul.f32 v18, v3;
	v18 =	vld [tilespmem:s3+$0xFFFFFF70]  }
0x8e: {  	v34 =	vmul.f32 v34, v3;
	v8 =	vadd.f32 v10, v8;
	v10 =	vmul.f32 v11, v36;
	v11 =	vld [tilespmem:s3+$0xFFFFFFA0]  }
0x8f: {  	v21 =	vmul.f32 v48, v19;
	v6 =	vadd.f32 v9, v6;
	v9 =	vmul.f32 v12, v35;
	v12 =	vld [tilespmem:s3+$0xFFFFFFB0]  }
0x90: {  	[tilespmem:$0x1FFD0] =	vst v4;
	v4 =	vmul.f32 v17, v2;
	v17 =	vld [tilespmem:s3+$0xFFFFFF60];
	v8 =	vadd.f32 v10, v8;
	v10 =	vmul.f32 v14, v35  }
0x91: {  	v48 =	vmul.f32 v49, v19;
	v14 =	vld [tilespmem:s3+$0x30];
	v6 =	vadd.f32 v9, v6;
	v9 =	vmul.f32 v15, v32  }
0x92: {  	v49 =	vimm.f32 $0.0e+00;
	[tilespmem:$0x1FFE0] =	vst v4;
	v4 =	vld [tilespmem:$0x1FFF0];
	v8 =	vadd.f32 v10, v8;
	v10 =	vmul.f32 v16, v32  }
0x93: {  	v47 =	vmul.f32 v38, v7;
	v15 =	vld [tilespmem:s3+$0xFFFFFFC0];
	v6 =	vadd.f32 v9, v6;
	v11 =	vmul.f32 v11, v31  }
0x94: {  	v38 =	vmul.f32 v44, v7;
	v16 =	vld [tilespmem:s3+$0xFFFFFFD0];
	v8 =	vadd.f32 v10, v8;
	v12 =	vmul.f32 v12, v31  }
0x95: {  	v44 =	vmul.f32 v52, v19;
	v10 =	vld [tilespmem:s3+$0xFFFFFF10];
	v6 =	vadd.f32 v11, v6;
	v11 =	vmul.f32 v54, v28  }
0x96: {  	v52 =	vmul.f32 v56, v27;
	v54 =	vld [tilespmem:s3+$0xFFFFFEA0];
	v8 =	vadd.f32 v12, v8;
	v12 =	vmul.f32 v60, v28  }
0x97: {  	v60 =	vmul.f32 v55, v27;
	v55 =	vld [tilespmem:s3+$0xFFFFFEB0];
	v6 =	vadd.f32 v11, v6;
	v11 =	vmul.f32 v53, v27  }
0x98: {  	v56 =	vmul.f32 v61, v28;
	v61 =	vmul.f32 v15, v31;
	v15 =	vld [tilespmem:s3+$0xFFFFFDF0];
	v8 =	vadd.f32 v12, v8  }
0x99: {  	v53 =	vmul.f32 v57, v27;
	v57 =	vmul.f32 v14, v28;
	v14 =	vld [tilespmem:s3+$0xFFFFFDE0];
	v6 =	vadd.f32 v11, v6  }
0x9a: {  	v9 =	vmul.f32 v37, v7;
	v37 =	vmul.f32 v42, v7;
	v12 =	vld [tilespmem:s3+$0xFFFFFE40];
	v8 =	vadd.f32 v60, v8  }
0x9b: {  	v42 =	vmul.f32 v4, v19;
	v11 =	vld [tilespmem:s3+$0xFFFFFE50];
	v10 =	vmul.f32 v10, v35;
	v6 =	vadd.f32 v21, v6  }
0x9c: {  	v60 =	vmul.f32 v16, v31;
	v16 =	vld [tilespmem:s3+$0xFFFFFD80];
	v8 =	vadd.f32 v48, v8;
	v48 =	vimm.f32 $0.0e+00  }
0x9d: {  	v21 =	vadd.f32 v9, v6;
	v6 =	vmul.f32 v17, v32;
	v9 =	vmul.f32 v23, v35;
	v17 =	vld [tilespmem:s3+$0xFFFFFD90]  }
0x9e: {  	s4 =	simm.s32 $0x40;
	v23 =	vadd.f32 v47, v8;
	v8 =	vmul.f32 v18, v32;
	v18 =	vld [tilespmem:s3+$0xFFFFFD20];
	v47 =	vimm.f32 $0.0e+00  }
.LBB2_1:
0x9f: {  	v24 =	vld [tilespmem:s3+$0xFFFFFD30]  }
0xa0: {  	v4 =	vld [tilespmem:$0x1FFA0]  }
0xa1: {  	v21 =	vadd.f32 v62, v21;
	v62 =	vld [tilespmem:s3+$0xFFFFFDA0];
	v25 =	vmul.f32 v54, v36  }
0xa2: {  	v23 =	vadd.f32 v63, v23;
	v26 =	vmul.f32 v55, v36;
	v54 =	vld [tilespmem:s3+$0xFFFFFD40];
	v12 =	vmul.f32 v12, v39  }
0xa3: {  	v21 =	vadd.f32 v58, v21;
	v55 =	vld [tilespmem:s3+$0xFFFFFD50];
	v14 =	vmul.f32 v14, v40;
	v18 =	vmul.f32 v18, v43  }
0xa4: {  	v63 =	vld [tilespmem:s3+$0xFFFFFE60];
	v23 =	vadd.f32 v59, v23;
	v11 =	vmul.f32 v11, v39;
	v15 =	vmul.f32 v15, v40  }
0xa5: {  	v58 =	vld [tilespmem:s3+$0xFFFFFDB0];
	v16 =	vmul.f32 v16, v41;
	v24 =	vmul.f32 v24, v43;
	v13 =	vadd.f32 v18, v4  }
0xa6: {  	v59 =	vld [tilespmem:s3+$0xFFFFFE00];
	v17 =	vmul.f32 v17, v41;
	v21 =	vadd.f32 v50, v21;
	v23 =	vadd.f32 v51, v23  }
0xa7: {  	v51 =	vld [tilespmem:s3+$0xFFFFFE10];
	v18 =	vadd.f32 v24, v49;
	v13 =	vadd.f32 v16, v13;
	v50 =	vmul.f32 v54, v43  }
0xa8: {  	v4 =	vld [tilespmem:$0x1FFD0];
	v43 =	vmul.f32 v55, v43;
	v54 =	vadd.f32 v46, v21;
	v55 =	vadd.f32 v45, v23  }
0xa9: {  	v21 =	vmul.f32 v62, v41;
	v23 =	vld [tilespmem:s3+$0xFFFFFE70];
	v16 =	vadd.f32 v17, v18;
	v13 =	vadd.f32 v14, v13  }
0xaa: {  	v18 =	vld [tilespmem:s3+$0xFFFFFED0];
	v24 =	vadd.f32 v50, v48;
	v43 =	vadd.f32 v43, v47;
	v50 =	vmul.f32 v58, v41  }
0xab: {  	v17 =	vmul.f32 v59, v40;
	v58 =	vld [tilespmem:s3+$0xFFFFFEC0];
	v14 =	vadd.f32 v15, v16;
	v12 =	vadd.f32 v12, v13  }
0xac: {  	v59 =	vmul.f32 v51, v40;
	v16 =	vld [tilespmem:s3+$0xFFFFFF30];
	v21 =	vadd.f32 v21, v24;
	v24 =	vadd.f32 v50, v43  }
0xad: {  	v62 =	vld [tilespmem:s3+$0xFFFFFF20];
	v15 =	vmul.f32 v63, v39;
	v11 =	vadd.f32 v11, v14;
	v12 =	vadd.f32 v25, v12  }
0xae: {  	v14 =	vld [tilespmem:s3+$0xFFFFFF90];
	v23 =	vmul.f32 v23, v39;
	v17 =	vadd.f32 v17, v21;
	v21 =	vadd.f32 v59, v24  }
0xaf: {  	v18 =	vmul.f32 v18, v36;
	v24 =	vld [tilespmem:s3+$0xFFFFFF80];
	v9 =	vadd.f32 v9, v12  }
0xb0: {  	v13 =	vmul.f32 v58, v36;
	v15 =	vadd.f32 v15, v17;
	v17 =	vadd.f32 v23, v21;
	v21 =	vld [tilespmem:s3+$0xFFFFFFE0]  }
0xb1: {  	v25 =	vld [tilespmem:s3+$0xFFFFFFF0];
	v11 =	vadd.f32 v26, v11;
	v16 =	vmul.f32 v16, v35;
	v6 =	vadd.f32 v6, v9  }
0xb2: {  	v12 =	vld [tilespmem:s3+$0x50];
	v23 =	vmul.f32 v62, v35;
	v13 =	vadd.f32 v13, v15;
	v15 =	vadd.f32 v18, v17  }
0xb3: {  	v10 =	vadd.f32 v10, v11;
	v14 =	vmul.f32 v14, v32;
	v17 =	vld [tilespmem:s3+$0x40];
	v6 =	vadd.f32 v61, v6  }
0xb4: {  	v11 =	vmul.f32 v24, v32;
	v13 =	vadd.f32 v23, v13;
	v15 =	vadd.f32 v16, v15;
	v16 =	vld [tilespmem:s3+$0xA0]  }
0xb5: {  	v8 =	vadd.f32 v8, v10;
	v10 =	vld [tilespmem:s3+$0xB0];
	v9 =	vmul.f32 v21, v31;
	v6 =	vadd.f32 v56, v6  }
0xb6: {  	v18 =	vld [tilespmem:s3+$0x110];
	v11 =	vadd.f32 v11, v13;
	v13 =	vadd.f32 v14, v15;
	v14 =	vmul.f32 v25, v31  }
0xb7: {  	v12 =	vmul.f32 v12, v28;
	v15 =	vld [tilespmem:s3+$0x100];
	v6 =	vadd.f32 v52, v6  }
0xb8: {  	v17 =	vmul.f32 v17, v28;
	v9 =	vadd.f32 v9, v11;
	v11 =	vadd.f32 v14, v13;
	v13 =	vld [tilespmem:s3+$0x160]  }
0xb9: {  	v14 =	vmul.f32 v16, v27;
	v16 =	vld [tilespmem:s3+$0x170];
	v6 =	vadd.f32 v42, v6  }
0xba: {  	v10 =	vmul.f32 v10, v27;
	v9 =	vadd.f32 v17, v9;
	v11 =	vadd.f32 v12, v11;
	v12 =	vld [tilespmem:s3+$0x1C0]  }
0xbb: {  	v17 =	vld [tilespmem:s3+$0x1D0];
	v6 =	vadd.f32 v37, v6  }
0xbc: {  	v9 =	vadd.f32 v14, v9;
	v10 =	vadd.f32 v10, v11;
	v11 =	vmul.f32 v18, v19;
	v14 =	vld [tilespmem:s3+$0x220]  }
0xbd: {  	v15 =	vmul.f32 v15, v19;
	v18 =	vld [tilespmem:s3+$0x230]  }
0xbe: {  	v6 =	vadd.f32 v33, v6;
	v10 =	vadd.f32 v11, v10;
	v11 =	vld [tilespmem:s3+$0x280]  }
0xbf: {  	v13 =	vmul.f32 v13, v7;
	v9 =	vadd.f32 v15, v9;
	v7 =	vmul.f32 v16, v7;
	v15 =	vld [tilespmem:s3+$0x290]  }
0xc0: {  	v6 =	vadd.f32 v4, v6;
	v4 =	vld [tilespmem:$0x1FFE0]  }
0xc1: {  	v7 =	vadd.f32 v7, v10;
	v10 =	vld [tilespmem:s3+$0x2E0]  }
0xc2: {  	v12 =	vmul.f32 v12, v3;
	v9 =	vadd.f32 v13, v9;
	v13 =	vmul.f32 v14, v2;
	v14 =	vld [tilespmem:s3+$0x2F0];
	s3 =	sadd.s32 $0x600, s3  }
0xc3: {  	v8 =	vadd.f32 v60, v8;
	v16 =	vld [tilespmem:s3+$0x2A0]  }
0xc4: {  	v9 =	vadd.f32 v12, v9;
	v12 =	vld [tilespmem:s3+$0x2B0]  }
0xc5: {  	v8 =	vadd.f32 v57, v8;
	v3 =	vmul.f32 v17, v3;
	v17 =	vld [tilespmem:s3+$0x240]  }
0xc6: {  	v2 =	vmul.f32 v18, v2;
	v18 =	vld [tilespmem:s3+$0x260]  }
0xc7: {  	v8 =	vadd.f32 v53, v8;
	v21 =	vld [tilespmem:s3+$0x270]  }
0xc8: {  	v23 =	vld [tilespmem:s3+$0x1E0]  }
0xc9: {  	v8 =	vadd.f32 v44, v8;
	v24 =	vld [tilespmem:s3+$0x1F0]  }
0xca: {  	v25 =	vld [tilespmem:s3+$0x200]  }
0xcb: {  	v8 =	vadd.f32 v38, v8;
	v26 =	vld [tilespmem:s3+$0x210]  }
0xcc: {  	v33 =	vld [tilespmem:s3+$0x180]  }
0xcd: {  	v8 =	vadd.f32 v34, v8;
	v34 =	vld [tilespmem:s3+$0x190]  }
0xce: {  	v37 =	vld [tilespmem:s3+$0x1A0]  }
0xcf: {  	v38 =	vld [tilespmem:s3+$0x1B0]  }
0xd0: {  	v3 =	vadd.f32 v3, v7;
	v42 =	vld [tilespmem:s3+$0x120]  }
0xd1: {  	v44 =	vld [tilespmem:s3+$0x130]  }
0xd2: {  	v2 =	vadd.f32 v2, v3;
	v3 =	vld [tilespmem:$0x1FFB0]  }
0xd3: {  	v7 =	vadd.f32 v4, v8;
	v4 =	vld [tilespmem:$0x1FFC0]  }
0xd4: {  	v52 =	vld [tilespmem:s3+$0x140]  }
0xd5: {  	v53 =	vld [tilespmem:s3+$0x150];
	v8 =	vmul.f32 v11, v1;
	v1 =	vmul.f32 v15, v1  }
0xd6: {  	v56 =	vld [tilespmem:s3+$0xC0]  }
0xd7: {  	s5 =	sshra.s32 s4, $0x2;
	v1 =	vadd.f32 v1, v2;
	v2 =	vld [tilespmem:$0x1FF80]  }
0xd8: {  	v3 =	vadd.f32 v3, v6;
	v6 =	vadd.f32 v4, v7;
	v4 =	vld [tilespmem:s5+$0x3500]  }
0xd9: {  	v57 =	vld [tilespmem:s3+$0xD0];
	v9 =	vadd.f32 v13, v9  }
0xda: {  	v60 =	vld [tilespmem:s3+$0xE0];
	v7 =	vmul.f32 v10, v0;
	v0 =	vmul.f32 v14, v0  }
0xdb: {  	v5 =	vimm.s32 $0xA;
	v61 =	vld [tilespmem:s3+$0x70];
	v8 =	vadd.f32 v8, v9  }
0xdc: {  	v30 =	vld [tilespmem:s3+$0xFFFFFF70];
	v13 =	vimm.s32 $0x0;
	v47 =	vadd.f32 v0, v1;
	v0 =	vimm.s32 $0xE  }
0xdd: {  	v14 =	vld [tilespmem:s3+$0x250];
	v2 =	vadd.f32 v2, v3;
	v48 =	vadd.f32 v7, v8;
	v1 =	vperm.xlane v4, v0  }
0xde: {  	v11 =	vld [tilespmem:s3+$0x2C0];
	v0 =	vimm.s32 $0xF;
	v19 =	vperm.xlane v4, v5;
	v5 =	vimm.s32 $0xB  }
0xdf: {  	v15 =	vld [tilespmem:s3+$0x2D0];
	v43 =	vperm.xlane v4, v13;
	v13 =	vimm.s32 $0x1;
	v0 =	vperm.xlane v4, v0  }
0xe0: {  	[tilespmem:$0x1FFA0] =	vst v2;
	v2 =	vld [tilespmem:$0x1FF90];
	v7 =	vperm.xlane v4, v5;
	v5 =	vimm.s32 $0x8;
	v41 =	vperm.xlane v4, v13  }
0xe1: {  	v9 =	vld [tilespmem:s3+$0x90];
	v28 =	vperm.xlane v4, v5;
	v50 =	vmul.f32 v17, v1  }
0xe2: {  	v10 =	vld [tilespmem:s3+$0xF0];
	v51 =	vmul.f32 v14, v1;
	v14 =	vmul.f32 v18, v1  }
0xe3: {  	v8 =	vld [tilespmem:s3+$0x80];
	v5 =	vimm.s32 $0x9;
	v22 =	vmul.f32 v56, v19;
	v29 =	vmul.f32 v57, v19  }
0xe4: {  	v13 =	vld [tilespmem:s3+$0x20];
	v27 =	vperm.xlane v4, v5;
	v46 =	vmul.f32 v16, v0  }
0xe5: {  	v18 =	vld [tilespmem:s3+$0xFFFFFDD0];
	v11 =	vmul.f32 v11, v0;
	v49 =	vadd.f32 v2, v6;
	v2 =	vimm.s32 $0xC  }
0xe6: {  	v45 =	vmul.f32 v12, v0;
	v16 =	vld [tilespmem:s3+$0x30];
	v3 =	vperm.xlane v4, v2;
	v2 =	vimm.s32 $0xD  }
0xe7: {  	v12 =	vld [tilespmem:s3+$0xFFFFFD10];
	[tilespmem:$0x1FF80] =	vst v11;
	v11 =	vmul.f32 v15, v0;
	v2 =	vperm.xlane v4, v2  }
0xe8: {  	v5 =	vimm.s32 $0x6;
	v20 =	vmul.f32 v44, v7;
	v6 =	vld [tilespmem:s3+$0x60];
	[tilespmem:$0x1FFB0] =	vst v14;
	v14 =	vmul.f32 v21, v1  }
0xe9: {  	v32 =	vperm.xlane v4, v5;
	v5 =	vimm.s32 $0x7;
	[tilespmem:$0x1FF90] =	vst v11;
	v11 =	vld [tilespmem:s3+$0xFFFFFD00];
	v17 =	vmul.f32 v25, v2  }
0xea: {  	v44 =	vmul.f32 v10, v19;
	v31 =	vperm.xlane v4, v5;
	v5 =	vimm.s32 $0x4;
	v15 =	vld [tilespmem:s3+$0xFFFFFD70];
	[tilespmem:$0x1FFC0] =	vst v14  }
0xeb: {  	v36 =	vperm.xlane v4, v5;
	v5 =	vimm.s32 $0x5;
	v14 =	vld [tilespmem:s3+$0xFFFFFD60];
	[tilespmem:$0x1FFD0] =	vst v17;
	v17 =	vmul.f32 v26, v2  }
0xec: {  	v21 =	vld [tilespmem:s3+$0xFFFFFE20];
	v56 =	vmul.f32 v13, v28;
	v35 =	vperm.xlane v4, v5;
	v5 =	vimm.s32 $0x2  }
0xed: {  	v40 =	vperm.xlane v4, v5;
	v12 =	vmul.f32 v12, v43;
	[tilespmem:$0x1FFE0] =	vst v17;
	v17 =	vld [tilespmem:s3+$0xFFFFFDC0]  }
0xee: {  	v58 =	vmul.f32 v23, v2;
	v23 =	vld [tilespmem:s3+$0xFFFFFE30];
	v11 =	vmul.f32 v11, v43  }
0xef: {  	v5 =	vimm.s32 $0x3;
	v25 =	vld [tilespmem:s3+$0xFFFFFE80];
	v12 =	vadd.f32 v12, v55;
	v15 =	vmul.f32 v15, v41  }
0xf0: {  	v57 =	vmul.f32 v16, v28;
	v16 =	vld [tilespmem:s3+$0xFFFFFD80];
	v14 =	vmul.f32 v14, v41;
	v11 =	vadd.f32 v11, v54  }
0xf1: {  	v62 =	vmul.f32 v33, v3;
	v39 =	vperm.xlane v4, v5;
	v26 =	vld [tilespmem:s3+$0xFFFFFE90];
	v12 =	vadd.f32 v15, v12  }
0xf2: {  	v15 =	vld [tilespmem:s3+$0xFFFFFEE0];
	v11 =	vadd.f32 v14, v11;
	v14 =	vmul.f32 v18, v40;
	v17 =	vmul.f32 v17, v40  }
0xf3: {  	v63 =	vmul.f32 v34, v3;
	v18 =	vmul.f32 v21, v39;
	v21 =	vld [tilespmem:s3+$0xFFFFFEF0]  }
0xf4: {  	v12 =	vadd.f32 v14, v12;
	v14 =	vmul.f32 v23, v39;
	v11 =	vadd.f32 v17, v11;
	v17 =	vld [tilespmem:s3+$0xFFFFFF40]  }
0xf5: {  	v33 =	vmul.f32 v37, v3;
	v23 =	vmul.f32 v25, v36;
	v25 =	vld [tilespmem:s3+$0xFFFFFF50]  }
0xf6: {  	v12 =	vadd.f32 v14, v12;
	v14 =	vmul.f32 v26, v36;
	v11 =	vadd.f32 v18, v11;
	v18 =	vld [tilespmem:s3+$0xFFFFFFA0]  }
0xf7: {  	v34 =	vmul.f32 v38, v3;
	v15 =	vmul.f32 v15, v35;
	v26 =	vld [tilespmem:s3+$0xFFFFFFB0]  }
0xf8: {  	v5 =	vld [tilespmem:s3+$0x0];
	v12 =	vadd.f32 v14, v12;
	v14 =	vmul.f32 v21, v35;
	v11 =	vadd.f32 v23, v11  }
0xf9: {  	v37 =	vmul.f32 v52, v7;
	v4 =	vld [tilespmem:s3+$0x10];
	v17 =	vmul.f32 v17, v32  }
0xfa: {  	v55 =	vld [tilespmem:s3+$0xFFFFFEB0];
	v12 =	vadd.f32 v14, v12;
	v14 =	vmul.f32 v25, v32;
	v11 =	vadd.f32 v15, v11  }
0xfb: {  	v38 =	vmul.f32 v53, v7;
	v54 =	vld [tilespmem:s3+$0xFFFFFEA0];
	v15 =	vmul.f32 v18, v31  }
0xfc: {  	v21 =	vld [tilespmem:s3+$0xFFFFFFC0];
	v12 =	vadd.f32 v14, v12;
	v14 =	vmul.f32 v26, v31;
	v11 =	vadd.f32 v17, v11  }
0xfd: {  	v52 =	vmul.f32 v8, v27;
	v5 =	vmul.f32 v5, v28;
	v23 =	vld [tilespmem:s3+$0xFFFFFFD0]  }
0xfe: {  	v4 =	vmul.f32 v4, v28;
	v25 =	vld [tilespmem:s3+$0xFFFFFF60];
	v10 =	vadd.f32 v15, v11;
	v11 =	vadd.f32 v14, v12  }
0xff: {  	v53 =	vmul.f32 v9, v27;
	v6 =	vmul.f32 v6, v27;
	v18 =	vld [tilespmem:s3+$0xFFFFFF00]  }
0x100: {  	v26 =	vld [tilespmem:s3+$0xFFFFFF10];
	v15 =	vmul.f32 v61, v27;
	v5 =	vadd.f32 v5, v10;
	v4 =	vadd.f32 v4, v11  }
0x101: {  	p1 =	sne.s32 s4, $0x1C0;
	v8 =	vmul.f32 v30, v32;
	v59 =	vmul.f32 v24, v2;
	v17 =	vld [tilespmem:s3+$0xFFFFFD90]  }
.Ltmp0:
0x102: {  	v24 =	vmul.f32 v42, v7;
	v12 =	vld [tilespmem:s3+$0xFFFFFE40];
	v5 =	vadd.f32 v6, v5;
	v4 =	vadd.f32 v15, v4;
	(pc) =	sbr.rel @p1 .LBB2_1-.Ltmp0, $4  }
0x103: {  	v42 =	vmul.f32 v60, v19;
	v60 =	vmul.f32 v23, v31;
	v14 =	vld [tilespmem:s3+$0xFFFFFDE0]  }
0x104: {  	v61 =	vmul.f32 v21, v31;
	v11 =	vld [tilespmem:s3+$0xFFFFFE50];
	v5 =	vadd.f32 v22, v5;
	v4 =	vadd.f32 v29, v4  }
0x105: {  	v9 =	vmul.f32 v18, v35;
	v18 =	vld [tilespmem:s3+$0xFFFFFD20];
	v10 =	vmul.f32 v26, v35  }
0x106: {  	s4 =	sadd.s32 $0x40, s4;
	v15 =	vld [tilespmem:s3+$0xFFFFFDF0];
	v6 =	vmul.f32 v25, v32;
	v21 =	vadd.f32 v24, v5;
	v23 =	vadd.f32 v20, v4  }
0x107: {  	v4 =	vld [tilespmem:s3+$0xFFFFFD30]  }
0x108: {  	v24 =	vld [tilespmem:s3+$0xFFFFFDA0]  }
0x109: {  	v25 =	vld [tilespmem:s3+$0xFFFFFDB0]  }
0x10a: {  	v26 =	vld [tilespmem:s3+$0xFFFFFE00]  }
0x10b: {  	v29 =	vld [tilespmem:s3+$0xFFFFFE10]  }
0x10c: {  	v30 =	vld [tilespmem:$0x1FFA0]  }
0x10d: {  	v13 =	vmul.f32 v54, v36;
	v54 =	vld [tilespmem:s3+$0xFFFFFEC0]  }
0x10e: {  	v20 =	vmul.f32 v55, v36;
	v5 =	vadd.f32 v62, v21;
	v22 =	vadd.f32 v63, v23;
	v63 =	vld [tilespmem:s3+$0xFFFFFD50]  }
0x10f: {  	v12 =	vmul.f32 v12, v39;
	v62 =	vld [tilespmem:s3+$0xFFFFFD40];
	v18 =	vmul.f32 v18, v43  }
0x110: {  	v16 =	vmul.f32 v16, v41;
	v5 =	vadd.f32 v58, v5;
	v22 =	vadd.f32 v59, v22;
	v58 =	vld [tilespmem:s3+$0xFFFFFED0]  }
0x111: {  	v17 =	vmul.f32 v17, v41;
	v14 =	vmul.f32 v14, v40;
	v18 =	vadd.f32 v18, v30;
	v30 =	vld [tilespmem:s3+$0xFFFFFF30]  }
0x112: {  	v5 =	vadd.f32 v50, v5;
	v22 =	vadd.f32 v51, v22;
	v51 =	vmul.f32 v25, v41;
	v25 =	vld [tilespmem:s3+$0xB0]  }
0x113: {  	v4 =	vmul.f32 v4, v43;
	v23 =	vmul.f32 v63, v43;
	v63 =	vld [tilespmem:s3+$0xFFFFFF20]  }
0x114: {  	v11 =	vmul.f32 v11, v39;
	v21 =	vmul.f32 v62, v43;
	v43 =	vld [tilespmem:s3+$0xFFFFFF80];
	v5 =	vadd.f32 v46, v5  }
0x115: {  	v15 =	vmul.f32 v15, v40;
	v46 =	vld [tilespmem:s3+$0xFFFFFE60];
	v22 =	vadd.f32 v45, v22;
	v4 =	vadd.f32 v4, v49  }
0x116: {  	v24 =	vmul.f32 v24, v41;
	v49 =	vld [tilespmem:s3+$0xFFFFFE70];
	v16 =	vadd.f32 v16, v18;
	v21 =	vadd.f32 v21, v48  }
0x117: {  	v50 =	vadd.f32 v23, v47;
	v48 =	vmul.f32 v58, v36;
	v58 =	vld [tilespmem:s3+$0x40];
	v4 =	vadd.f32 v17, v4  }
0x118: {  	v55 =	vmul.f32 v26, v40;
	v23 =	vld [tilespmem:s3+$0xA0];
	v14 =	vadd.f32 v14, v16;
	v21 =	vadd.f32 v24, v21  }
0x119: {  	v62 =	vmul.f32 v29, v40;
	v59 =	vadd.f32 v51, v50;
	v51 =	vld [tilespmem:s3+$0xFFFFFFF0];
	v4 =	vadd.f32 v15, v4  }
0x11a: {  	v12 =	vadd.f32 v12, v14;
	v29 =	vmul.f32 v46, v39;
	v17 =	vadd.f32 v55, v21;
	v46 =	vld [tilespmem:s3+$0xFFFFFF90]  }
0x11b: {  	v40 =	vadd.f32 v62, v59;
	v41 =	vmul.f32 v49, v39;
	v49 =	vld [tilespmem:s3+$0xFFFFFFE0];
	v4 =	vadd.f32 v11, v4  }
0x11c: {  	v45 =	vmul.f32 v54, v36;
	v62 =	vld [tilespmem:s3+$0x50];
	v12 =	vadd.f32 v13, v12;
	v15 =	vadd.f32 v29, v17  }
0x11d: {  	v55 =	vmul.f32 v30, v35;
	v30 =	vld [tilespmem:s3+$0x110];
	v47 =	vadd.f32 v41, v40;
	v4 =	vadd.f32 v20, v4  }
0x11e: {  	v50 =	vmul.f32 v63, v35;
	v35 =	vld [tilespmem:s3+$0x170];
	v9 =	vadd.f32 v9, v12;
	v11 =	vadd.f32 v45, v15  }
0x11f: {  	v59 =	vmul.f32 v43, v32;
	v39 =	vld [tilespmem:s3+$0x1C0];
	v54 =	vadd.f32 v48, v47;
	v4 =	vadd.f32 v10, v4  }
0x120: {  	v43 =	vld [tilespmem:s3+$0x230];
	v14 =	vmul.f32 v58, v28;
	v6 =	vadd.f32 v6, v9;
	v11 =	vadd.f32 v50, v11  }
0x121: {  	v58 =	vld [tilespmem:$0x1FFC0];
	v21 =	vmul.f32 v46, v32;
	v63 =	vadd.f32 v55, v54;
	v4 =	vadd.f32 v8, v4  }
0x122: {  	v29 =	vld [tilespmem:s3+$0x100];
	v24 =	vmul.f32 v49, v31;
	v6 =	vadd.f32 v61, v6;
	v10 =	vadd.f32 v59, v11  }
0x123: {  	v40 =	vld [tilespmem:s3+$0x1D0];
	v26 =	vmul.f32 v51, v31;
	v9 =	vadd.f32 v21, v63;
	v4 =	vadd.f32 v60, v4  }
0x124: {  	v51 =	vld [tilespmem:s3+$0x2F0];
	v6 =	vadd.f32 v56, v6;
	v8 =	vadd.f32 v24, v10  }
0x125: {  	v31 =	vmul.f32 v62, v28;
	v32 =	vld [tilespmem:s3+$0x160];
	v9 =	vadd.f32 v26, v9;
	v4 =	vadd.f32 v57, v4  }
0x126: {  	v13 =	vmul.f32 v23, v27;
	v45 =	vld [tilespmem:s3+$0x280];
	v6 =	vadd.f32 v52, v6;
	v8 =	vadd.f32 v14, v8  }
0x127: {  	v36 =	vmul.f32 v25, v27;
	v47 =	vld [tilespmem:s3+$0x290];
	v9 =	vadd.f32 v31, v9;
	v4 =	vadd.f32 v53, v4  }
0x128: {  	v12 =	vmul.f32 v29, v19;
	v52 =	vld [tilespmem:$0x1FFD0];
	v6 =	vadd.f32 v42, v6;
	v8 =	vadd.f32 v13, v8  }
0x129: {  	v41 =	vmul.f32 v30, v19;
	v42 =	vld [tilespmem:s3+$0x220];
	v9 =	vadd.f32 v36, v9;
	v4 =	vadd.f32 v44, v4  }
0x12a: {  	v54 =	vld [tilespmem:$0x1FFE0];
	v11 =	vmul.f32 v32, v7;
	v6 =	vadd.f32 v37, v6;
	v8 =	vadd.f32 v12, v8  }
0x12b: {  	v56 =	vld [tilespmem:$0x1FFB0];
	v44 =	vmul.f32 v35, v7;
	v9 =	vadd.f32 v41, v9;
	v4 =	vadd.f32 v38, v4  }
0x12c: {  	v46 =	vmul.f32 v39, v3;
	v49 =	vld [tilespmem:s3+$0x2E0];
	v6 =	vadd.f32 v33, v6;
	v8 =	vadd.f32 v11, v8  }
0x12d: {  	v48 =	vmul.f32 v40, v3;
	v60 =	vld [tilespmem:$0x1FF80];
	v7 =	vadd.f32 v44, v9;
	v4 =	vadd.f32 v34, v4  }
0x12e: {  	v62 =	vld [tilespmem:$0x1FF90];
	v50 =	vmul.f32 v42, v2;
	v6 =	vadd.f32 v52, v6;
	v8 =	vadd.f32 v46, v8  }
0x12f: {  	v53 =	vmul.f32 v43, v2;
	v3 =	vadd.f32 v48, v7;
	v4 =	vadd.f32 v54, v4  }
0x130: {  	v55 =	vmul.f32 v45, v1;
	v6 =	vadd.f32 v56, v6;
	v8 =	vadd.f32 v50, v8  }
0x131: {  	v57 =	vmul.f32 v47, v1;
	v2 =	vadd.f32 v53, v3;
	v3 =	vadd.f32 v58, v4  }
0x132: {  	v59 =	vmul.f32 v49, v0;
	[tilespmem:$0x35E0] =	vst v5;
	v6 =	vadd.f32 v60, v6;
	v7 =	vadd.f32 v55, v8  }
0x133: {  	v61 =	vmul.f32 v51, v0;
	[tilespmem:$0x35F0] =	vst v22;
	v1 =	vadd.f32 v57, v2;
	v2 =	vadd.f32 v62, v3  }
0x134: {  	[tilespmem:$0x3600] =	vst v6;
	v63 =	vadd.f32 v59, v7  }
0x135: {  	v0 =	vadd.f32 v61, v1;
	[tilespmem:$0x3610] =	vst v2  }
0x136: {  	s30 =	simm.s32 $0x60;
	[tilespmem:$0x3620] =	vst v63  }
0x137: {  	s4 =	simm.s32 $0x3580;
	s5 =	simm.s32 $0x35E0;
	s31 =	simm.s32 $0x3;
	[tilespmem:$0x3630] =	vst v0  }
0x138: {  	[spmem:s2] =	stream.indirect.scatter.add.f32 [tilespmem:s5], [sflag:$0x3], $0x1, s4, s30, $0xb8;
	[tilespmem:$0x3728] =	vst v63  }
0x139: {  	_ =	swait.ge [sflag:s31], $0x60  }
0x13a: {  	[sflag:s31] =	ssyncset.done $0x0  }
0x13b: {  	[sflag:s31] =	ssyncadd.s32 $0xFFFFFFA0  }
0x13c: {  	[bflag:$0x0] =	sbarrier.arrive $0xFFFF  }
0x13d: {  	_ =	sfence.sel @p0 $0x180000  }
0x13e: {  	[bflag:$0x0] =	sbarrier.arrive @p0 $0xFFFF  }
0x13f: {  	_ =	strace @p0 $0x90000047  }
0x140: {  	s3 =	simm.s32 @!p0 $0x3640;
	[bflag:$0x2] =	sbarrier.arrive @p0 $0xFFFF  }
0x141: {  	[tilespmem:s3], [sflag:$0x3] =	stream.linear.gather @!p0 [spmem:s2], $0x60, $0x38;
	[tilespmem:$0x3728] =	vst v63  }
0x142: {  	s2 =	simm.s32 @!p0 $0x3  }
0x143: {  	_ =	swait.ge @!p0 [sflag:s2], $0x60  }
0x144: {  	[sflag:s2] =	ssyncset.done @!p0 $0x0  }
0x145: {  	[sflag:s2] =	ssyncadd.s32 @!p0 $0xFFFFFFA0  }
0x146: {  	v0 =	vld @!p0 [tilespmem:$0x3640]  }
0x147: {  	v1 =	vld @!p0 [tilespmem:$0x3650]  }
0x148: {  	v2 =	vld @!p0 [tilespmem:$0x3660]  }
0x149: {  	v3 =	vld @!p0 [tilespmem:$0x3670]  }
0x14a: {  	v4 =	vld @!p0 [tilespmem:$0x3680]  }
0x14b: {  	v5 =	vld @!p0 [tilespmem:$0x3690];
	v0 =	vmul.f32 @!p0 $6.103515630e-05, v0  }
0x14c: {  	v1 =	vmul.f32 @!p0 $6.103515630e-05, v1  }
0x14d: {  	[tilespmem:$0x35E0] =	vst @!p0 v0;
	v0 =	vmul.f32 @!p0 $6.103515630e-05, v2  }
0x14e: {  	[tilespmem:$0x35F0] =	vst @!p0 v1;
	v1 =	vmul.f32 @!p0 $6.103515630e-05, v3  }
0x14f: {  	[tilespmem:$0x3600] =	vst @!p0 v0;
	v0 =	vmul.f32 @!p0 $6.103515630e-05, v4  }
0x150: {  	[tilespmem:$0x3610] =	vst @!p0 v1;
	v1 =	vmul.f32 @!p0 $6.103515630e-05, v5  }
0x151: {  	[tilespmem:$0x3620] =	vst @!p0 v0  }
0x152: {  	s4 =	simm.s32 @!p0 $0x35E0;
	s3 =	simm.s32 @!p0 $0x0;
	[tilespmem:$0x3630] =	vst @!p0 v1  }
0x153: {  	[hbm4b:s1+s3] =	stream.linear.scatter @!p0 [tilespmem:s4], [sflag:$0x3], $0x60, $0x38;
	[tilespmem:$0x3728] =	vst v63  }
0x154: {  	_ =	swait.ge @!p0 [sflag:s2], $0x60  }
0x155: {  	[sflag:s2] =	ssyncset.done @!p0 $0x0  }
0x156: {  	[sflag:s2] =	ssyncadd.s32 @!p0 $0xFFFFFFA0  }
0x157: {  	_ =	sfence.sel @!p0 $0x180000  }
0x158: {  	[bflag:$0x0] =	sbarrier.arrive @!p0 $0xFFFF  }
0x159: {  	_ =	strace @!p0 $0x90000047  }
0x15a: {  	s0 =	sadd.s32 @!p0 $0x100000, s0;
	[bflag:$0x2] =	sbarrier.arrive @!p0 $0xFFFF  }
0x15b: {  	[sflag:s0] =	ssyncadd.tile.s32 @!p0 $0x1;
	_ =	shalt  }
.Lfunc_end2:
_tile_overlayer_lowered:
.L_overlay_start_2:
0x15c: {  	(tag) =	ssettag $0x2  }
0x15d: {  	s0 =	rddreg [dreg:$0x0];
	s2 =	stileid.u32  }
0x15e: {  	s1 =	rddreg [dreg:$0x1];
	p0 =	sne.s32 s2, $0x0  }
0x15f: {  	s3 =	rddreg [dreg:$0x2];
	[bflag:$0x3] =	sbarrier.arrive $0xFFFF;
	s2 =	simm.s32 @!p0 $0x1C03  }
0x160: {  	[timem:s3], [sflag:s2] =	dma.local @!p0 [hbm:s0], s1  }
0x161: {  	s0 =	simm.s32 @!p0 $0x3  }
0x162: {  	_ =	swait.ge @!p0 [sflag:s0], s1  }
0x163: {  	s1 =	ssub.s32 @!p0 $0x0, s1;
	[sflag:s0] =	ssyncset.done @!p0 $0x0  }
0x164: {  	[sflag:s0] =	ssyncadd.s32 @!p0 s1  }
0x165: {  	[bflag:$0x3] =	sbarrier.arrive $0xFFFF  }
0x166: {  	_ =	shalt  }

</sc_bundles>
